<compile_context>
chip_gen: v7x
topology: tpu7x:2x2x1
jax: 0.10.2.dev20260603
libtpu: 0.0.44.dev20260713+nightly
codegen_flags: <defaults>
</compile_context>

<pallas_src>
import functools

import jax
import jax.numpy as jnp
from jax import lax
from jax.experimental import pallas as pl
from jax.experimental.pallas import tpu as pltpu
from jax.experimental.pallas import tpu_sc as plsc

N_NODES = 100000
N_EDGES = 1600000
NUM_GRAPHS = 64
MLPW = 64
ATT = 128

NC = 2
NS = 16
E_PAD = 1638400
EPB = E_PAD // (NC * NS)
RPW = EPB // 128
GK = 4
SK = 8
MLP_B = 2048
ROW_B = 1000
POOL_B = 2000

_f32 = jnp.float32


def _sc_mesh():
    return plsc.VectorSubcoreMesh(core_axis_name="c", subcore_axis_name="s")


def _pad_edges(src, dst, ea):
    rows_out = E_PAD // 128
    pad = E_PAD - N_EDGES
    s2 = jnp.pad(src, (0, pad)).reshape(rows_out, 128)
    d2 = jnp.pad(dst, (0, pad)).reshape(rows_out, 128)
    e2 = jnp.pad(ea, (0, pad)).reshape(E_PAD, 1)
    return s2, d2, e2


@functools.partial(jax.jit, static_argnames=("d",))
def _sc_gather(h, src2d, dst2d, *, d):
    n_it = RPW // GK

    @functools.partial(
        pl.kernel,
        mesh=_sc_mesh(),
        compiler_params=pltpu.CompilerParams(use_tc_tiling_on_sc=False),
        out_type=[
            jax.ShapeDtypeStruct((E_PAD, d), _f32),
            jax.ShapeDtypeStruct((E_PAD, d), _f32),
        ],
        scratch_types=[
            pltpu.VMEM((RPW, 128), jnp.int32),
            pltpu.VMEM((2, GK * 128, d), _f32),
            pltpu.SemaphoreType.DMA,
            pltpu.SemaphoreType.DMA,
            pltpu.SemaphoreType.DMA,
        ],
    )
    def k(h_hbm, src_hbm, dst_hbm, hs_out, hd_out, idx_v, rows, sem_g, sem_w, sem_i):
        wid = lax.axis_index("s") * NC + lax.axis_index("c")
        base = wid * EPB
        rbase = wid * RPW

        for phase, (i_hbm, o_hbm) in enumerate(
                ((src_hbm, hs_out), (dst_hbm, hd_out))):
            pltpu.async_copy(i_hbm.at[pl.ds(rbase, RPW)], idx_v, sem_i).wait()

            def gathers(i, b):
                cps = []
                for j in range(GK):
                    cps.append(pltpu.async_copy(
                        h_hbm.at[idx_v.at[i * GK + j]],
                        rows.at[b, pl.ds(j * 128, 128)], sem_g))
                return cps

            def body(i, carry):
                b = lax.rem(i, 2)
                cps = gathers(i, b)
                @pl.when(i > 0)
                def _():
                    pltpu.make_async_copy(
                        rows.at[1 - b], o_hbm.at[pl.ds(0, GK * 128)], sem_w
                    ).wait()
                for c in cps:
                    c.wait()
                pltpu.async_copy(
                    rows.at[b],
                    o_hbm.at[pl.ds(base + i * (GK * 128), GK * 128)], sem_w)
                return carry

            lax.fori_loop(0, n_it, body, 0, unroll=False)
            pltpu.make_async_copy(
                rows.at[0], o_hbm.at[pl.ds(0, GK * 128)], sem_w).wait()

    return k(h, src2d, dst2d)


def _sc_scatter_add(msg, dst2d, zeros16):
    sk = 4
    n_it = RPW // sk
    stripe = N_NODES // NS

    @functools.partial(
        pl.kernel,
        mesh=_sc_mesh(),
        compiler_params=pltpu.CompilerParams(use_tc_tiling_on_sc=False),
        out_type=jax.ShapeDtypeStruct((NC, N_NODES, 16), _f32),
        scratch_types=[
            pltpu.VMEM((2, sk, 128), jnp.int32),
            pltpu.VMEM((2, sk * 128, 16), _f32),
            pltpu.VMEM_SHARED((N_NODES, 16), _f32),
            pltpu.SemaphoreType.DMA,
            pltpu.SemaphoreType.DMA,
        ],
    )
    def k(m_hbm, dst_hbm, z_hbm, o_hbm, idx_v, rows, acc, sem_l, sem_s):
        cid = lax.axis_index("c")
        sid = lax.axis_index("s")
        wid = sid * NC + cid
        base = wid * EPB
        rbase = wid * RPW
        pltpu.sync_copy(
            z_hbm.at[pl.ds(sid * stripe, stripe)],
            acc.at[pl.ds(sid * stripe, stripe)])
        plsc.subcore_barrier()

        def body(i, carry):
            b = lax.rem(i, 2)
            cp_i = pltpu.async_copy(
                dst_hbm.at[pl.ds(rbase + i * sk, sk)], idx_v.at[b], sem_l)
            cp_r = pltpu.async_copy(
                m_hbm.at[pl.ds(base + i * (sk * 128), sk * 128)],
                rows.at[b], sem_l)
            @pl.when(i > 0)
            def _():
                for j in range(sk):
                    pltpu.make_async_copy(
                        rows.at[1 - b, pl.ds(j * 128, 128)],
                        acc.at[idx_v.at[1 - b, j]], sem_s).wait()
            cp_i.wait()
            cp_r.wait()
            for j in range(sk):
                pltpu.async_copy(
                    rows.at[b, pl.ds(j * 128, 128)],
                    acc.at[idx_v.at[b, j]], sem_s, add=True)
            return carry

        lax.fori_loop(0, n_it, body, 0, unroll=False)
        lb = (n_it - 1) % 2
        for j in range(sk):
            pltpu.make_async_copy(
                rows.at[lb, pl.ds(j * 128, 128)],
                acc.at[idx_v.at[lb, j]], sem_s).wait()
        plsc.subcore_barrier()
        pltpu.sync_copy(
            acc.at[pl.ds(sid * stripe, stripe)],
            o_hbm.at[cid, pl.ds(sid * stripe, stripe)])

    return k(msg, dst2d, zeros16)


def _edge_mlp(hs, hd, ea, a1s, a1d, w1e, b1, a2w, b2, a3w, b3, wedge, of):
    chunks = [(i * 16, 16) for i in range(of // 16)] if of >= 16 else [(0, of)]
    grid = (E_PAD // MLP_B,)

    def body(hs_ref, hd_ref, ea_ref, a1s_ref, a1d_ref, w1e_ref, b1_ref,
             a2_ref, b2_ref, a3_ref, b3_ref, we_ref, *out_refs):
        i = pl.program_id(0)
        hs_b = hs_ref[...]
        hd_b = hd_ref[...]
        ea_b = ea_ref[...]
        a1 = jnp.tanh(
            jnp.dot(hs_b, a1s_ref[...], preferred_element_type=_f32)
            + jnp.dot(hd_b, a1d_ref[...], preferred_element_type=_f32)
            + ea_b * w1e_ref[...]
            + b1_ref[...]
        )
        a2 = jnp.tanh(jnp.dot(a1, a2_ref[...], preferred_element_type=_f32) + b2_ref[...])
        t = jnp.dot(a2, a3_ref[...], preferred_element_type=_f32) + b3_ref[...]
        lg = jnp.where(t > 0, t, 0.2 * t)
        gid = i * MLP_B + lax.broadcasted_iota(jnp.int32, (MLP_B, 1), 0)
        ex = jnp.where(gid < N_EDGES, jnp.exp(lg), 0.0)
        e_b = ea_b * we_ref[...]
        msg = (hs_b + e_b) * ex
        for (o, w), ref in zip(chunks, out_refs[:-1]):
            if w == 16:
                ref[...] = msg[:, o:o + w]
            else:
                ref[...] = jnp.concatenate(
                    [msg[:, o:o + w], jnp.zeros((MLP_B, 16 - w), _f32)], axis=1)
        out_refs[-1][...] = jnp.broadcast_to(ex, (MLP_B, 16))

    full = lambda shape: pl.BlockSpec(shape, lambda i: (0, 0))
    in_specs = [
        pl.BlockSpec((MLP_B, of), lambda i: (i, 0)),
        pl.BlockSpec((MLP_B, of), lambda i: (i, 0)),
        pl.BlockSpec((MLP_B, 1), lambda i: (i, 0)),
        full((of, MLPW)), full((of, MLPW)), full((1, MLPW)), full((1, MLPW)),
        full((MLPW, MLPW)), full((1, MLPW)), full((MLPW, 1)), full((1, 1)),
        full((1, of)),
    ]
    nout = len(chunks) + 1
    out_specs = [pl.BlockSpec((MLP_B, 16), lambda i: (i, 0))] * nout
    out_shape = [jax.ShapeDtypeStruct((E_PAD, 16), _f32)] * nout
    return pl.pallas_call(
        body, grid=grid, in_specs=in_specs, out_specs=out_specs,
        out_shape=out_shape,
    )(hs, hd, ea, a1s, a1d, w1e, b1, a2w, b2, a3w, b3, wedge)


def _finalize(numers, den, bias, w_next, of, of_next):
    grid = (N_NODES // ROW_B,)
    nchunk = len(numers)

    def body(*refs):
        n_refs = refs[:nchunk]
        den_ref = refs[nchunk]
        bias_ref = refs[nchunk + 1]
        if w_next is not None:
            w_ref = refs[nchunk + 2]
        out_ref = refs[-1]
        numer = jnp.concatenate([r[0] + r[1] for r in n_refs], axis=-1)
        numer = numer[:, :of]
        d = den_ref[0, :, 0:1] + den_ref[1, :, 0:1] + 1e-16
        v = numer / d + bias_ref[...]
        xp = jnp.where(v > 0, v, jnp.exp(jnp.minimum(v, 0.0)) - 1.0)
        if w_next is not None:
            out_ref[...] = jnp.dot(xp, w_ref[...], preferred_element_type=_f32)
        else:
            out_ref[...] = xp

    in_specs = [pl.BlockSpec((NC, ROW_B, 16), lambda i: (0, i, 0))
                for _ in range(nchunk)]
    in_specs.append(pl.BlockSpec((NC, ROW_B, 16), lambda i: (0, i, 0)))
    args = list(numers) + [den, bias]
    in_specs.append(pl.BlockSpec((1, of), lambda i: (0, 0)))
    if w_next is not None:
        in_specs.append(pl.BlockSpec((of, of_next), lambda i: (0, 0)))
        args.append(w_next)
        out_w = of_next
    else:
        out_w = of
    return pl.pallas_call(
        body, grid=grid, in_specs=in_specs,
        out_specs=pl.BlockSpec((ROW_B, out_w), lambda i: (i, 0)),
        out_shape=jax.ShapeDtypeStruct((N_NODES, out_w), _f32),
    )(*args)


def _row_matmul(x, w):
    n, kdim = x.shape
    out_w = w.shape[1]
    grid = (n // ROW_B,)

    def body(x_ref, w_ref, o_ref):
        o_ref[...] = jnp.dot(x_ref[...], w_ref[...], preferred_element_type=_f32)

    return pl.pallas_call(
        body, grid=grid,
        in_specs=[pl.BlockSpec((ROW_B, kdim), lambda i: (i, 0)),
                  pl.BlockSpec((kdim, out_w), lambda i: (0, 0))],
        out_specs=pl.BlockSpec((ROW_B, out_w), lambda i: (i, 0)),
        out_shape=jax.ShapeDtypeStruct((n, out_w), _f32),
    )(x, w)


def _pool_pass1(x4, batch2d, w1, b1, w2, b2):
    grid = (N_NODES // POOL_B,)

    def body(x_ref, bt_ref, w1_ref, b1_ref, w2_ref, b2_ref, s_ref, ex_ref):
        i = pl.program_id(0)
        x_b = x_ref[...]
        t = jnp.tanh(jnp.dot(x_b, w1_ref[...], preferred_element_type=_f32)
                     + b1_ref[...])
        lg = jnp.dot(t, w2_ref[...], preferred_element_type=_f32) + b2_ref[...]
        ex = jnp.exp(lg)
        ex_ref[...] = ex
        oh = (bt_ref[...] == lax.broadcasted_iota(jnp.int32, (1, NUM_GRAPHS), 1)
              ).astype(_f32)
        vals = jnp.concatenate([x_b * ex, ex, jnp.zeros((POOL_B, 7), _f32)], axis=1)
        part = lax.dot_general(oh, vals, (((0,), (0,)), ((), ())),
                               preferred_element_type=_f32)

        @pl.when(i == 0)
        def _():
            s_ref[...] = part

        @pl.when(i > 0)
        def _():
            s_ref[...] = s_ref[...] + part

    return pl.pallas_call(
        body, grid=grid,
        in_specs=[pl.BlockSpec((POOL_B, 8), lambda i: (i, 0)),
                  pl.BlockSpec((POOL_B, 1), lambda i: (i, 0)),
                  pl.BlockSpec((8, ATT), lambda i: (0, 0)),
                  pl.BlockSpec((1, ATT), lambda i: (0, 0)),
                  pl.BlockSpec((ATT, 1), lambda i: (0, 0)),
                  pl.BlockSpec((1, 1), lambda i: (0, 0))],
        out_specs=[pl.BlockSpec((NUM_GRAPHS, 16), lambda i: (0, 0)),
                   pl.BlockSpec((POOL_B, 1), lambda i: (i, 0))],
        out_shape=[jax.ShapeDtypeStruct((NUM_GRAPHS, 16), _f32),
                   jax.ShapeDtypeStruct((N_NODES, 1), _f32)],
    )(x4, batch2d, w1, b1, w2, b2)


def _pool_pass2(s, exn, batch2d, wc, bc):
    grid = (N_NODES // POOL_B,)

    def body(s_ref, ex_ref, bt_ref, wc_ref, bc_ref, a_ref, y_ref):
        i = pl.program_id(0)
        denom = s_ref[:, 8:9] + 1e-16
        oh = (bt_ref[...] == lax.broadcasted_iota(jnp.int32, (1, NUM_GRAPHS), 1)
              ).astype(_f32)
        dn = jnp.dot(oh, denom, preferred_element_type=_f32)
        a_ref[...] = ex_ref[...] / dn

        @pl.when(i == 0)
        def _():
            m = s_ref[:, 0:8] / denom
            y = jnp.dot(m, wc_ref[...], preferred_element_type=_f32) + bc_ref[...]
            y_ref[...] = 1.0 / (1.0 + jnp.exp(-y))

    return pl.pallas_call(
        body, grid=grid,
        in_specs=[pl.BlockSpec((NUM_GRAPHS, 16), lambda i: (0, 0)),
                  pl.BlockSpec((POOL_B, 1), lambda i: (i, 0)),
                  pl.BlockSpec((POOL_B, 1), lambda i: (i, 0)),
                  pl.BlockSpec((8, 1), lambda i: (0, 0)),
                  pl.BlockSpec((1, 1), lambda i: (0, 0))],
        out_specs=[pl.BlockSpec((POOL_B, 1), lambda i: (i, 0)),
                   pl.BlockSpec((NUM_GRAPHS, 1), lambda i: (0, 0))],
        out_shape=[jax.ShapeDtypeStruct((N_NODES, 1), _f32),
                   jax.ShapeDtypeStruct((NUM_GRAPHS, 1), _f32)],
    )(s, exn, batch2d, wc, bc)


def kernel(x, edge_attr, edge_index, batch, mp_params, att_params, clf_params):
    src2d, dst2d, ea = _pad_edges(
        edge_index[0], edge_index[1], edge_attr[:, 0])
    zeros16 = jnp.zeros((N_NODES, 16), _f32)
    dims = [(17, 64), (64, 64), (64, 64), (64, 8)]

    h = _row_matmul(x, mp_params[0]["W_node"])
    for li, (in_f, of) in enumerate(dims):
        p = mp_params[li]
        a1 = p["A1"]
        a1s, a1d, a1e = a1[:of], a1[of:2 * of], a1[2 * of:]
        w1e = p["W_edge"] @ a1e
        hs, hd = _sc_gather(h, src2d, dst2d, d=of)
        outs = _edge_mlp(
            hs, hd, ea, a1s, a1d, w1e, p["b1"].reshape(1, -1),
            p["A2"], p["b2"].reshape(1, -1), p["A3"], p["b3"].reshape(1, 1),
            p["W_edge"], of,
        )
        sums = [_sc_scatter_add(o, dst2d, zeros16) for o in outs]
        numers, den = sums[:-1], sums[-1]
        bias = p["bias"].reshape(1, -1)
        w_next = mp_params[li + 1]["W_node"] if li + 1 < len(dims) else None
        of_next = dims[li + 1][1] if li + 1 < len(dims) else None
        h = _finalize(numers, den, bias, w_next, of, of_next)

    x4 = h
    batch2d = batch.reshape(N_NODES, 1)
    s, exn = _pool_pass1(
        x4, batch2d, att_params["W1"], att_params["b1"].reshape(1, -1),
        att_params["W2"], att_params["b2"].reshape(1, 1),
    )
    a2d, y = _pool_pass2(
        s, exn, batch2d, clf_params["W"], clf_params["b"].reshape(1, 1),
    )
    return (y, a2d.reshape(-1))

# --- scband reference (transcript-rebuilt; emitter-appended) ---
"""Pipeline reference for scband-graph-att-surv-28286654611573 (READ-ONLY COPY).

The authoritative reference and input builder live on the scoring server;
editing this copy changes nothing except your own understanding.
"""

import jax, jax.numpy as jnp
import numpy as np

N_NODES = 100000
N_EDGES = 1600000
NUM_GRAPHS = 64
IN_F = 17
HID = 64
OUT_G = 8
OUT_F = 1
EDGE_D = 1
MLP = 64
ATT = 128


def make_gat_params(key, in_f, out_f):
    ks = jax.random.split(key, 5)
    s = 0.1
    return {
        "W_node": jax.random.normal(ks[0], (in_f, out_f), jnp.float32) * s,
        "W_edge": jax.random.normal(ks[1], (EDGE_D, out_f), jnp.float32) * s,
        "A1": jax.random.normal(ks[2], (3 * out_f, MLP), jnp.float32) * s,
        "b1": jnp.zeros((MLP,), jnp.float32),
        "A2": jax.random.normal(ks[3], (MLP, MLP), jnp.float32) * s,
        "b2": jnp.zeros((MLP,), jnp.float32),
        "A3": jax.random.normal(ks[4], (MLP, 1), jnp.float32) * s,
        "b3": jnp.zeros((1,), jnp.float32),
        "bias": jnp.zeros((out_f,), jnp.float32),
    }


def edge_gat_conv(x, edge_index, edge_attr, p, num_nodes):
    src = edge_index[0]
    dst = edge_index[1]
    h = x @ p["W_node"]
    e = edge_attr @ p["W_edge"]
    h_src = h[src]
    h_dst = h[dst]
    m = jnp.concatenate([h_src, h_dst, e], axis=-1)
    a = jnp.tanh(m @ p["A1"] + p["b1"])
    a = jnp.tanh(a @ p["A2"] + p["b2"])
    logits = jax.nn.leaky_relu((a @ p["A3"] + p["b3"]).squeeze(-1), 0.2)
    seg_max = jax.ops.segment_max(logits, dst, num_segments=num_nodes)
    seg_max = jnp.where(jnp.isfinite(seg_max), seg_max, 0.0)
    ex = jnp.exp(logits - seg_max[dst])
    denom = jax.ops.segment_sum(ex, dst, num_segments=num_nodes)
    alpha = ex / (denom[dst] + 1e-16)
    msg = (h_src + e) * alpha[:, None]
    out = jax.ops.segment_sum(msg, dst, num_segments=num_nodes) + p["bias"]
    return jax.nn.elu(out)


def setup_inputs(seed: int = 0) -> dict:
    key = jax.random.key(seed)
    ks = jax.random.split(key, 8)
    x = jax.random.normal(ks[0], (N_NODES, IN_F), jnp.float32)
    edge_index = jax.random.randint(ks[1], (2, N_EDGES), 0, N_NODES, dtype=jnp.int32)
    edge_attr = jax.random.normal(ks[2], (N_EDGES, EDGE_D), jnp.float32)
    batch = jnp.sort(jax.random.randint(ks[3], (N_NODES,), 0, NUM_GRAPHS, dtype=jnp.int32))
    dims = [(IN_F, HID), (HID, HID), (HID, HID), (HID, OUT_G)]
    mp_params = [make_gat_params(jax.random.fold_in(ks[4], i), i_f, o_f) for i, (i_f, o_f) in enumerate(dims)]
    s = 0.1
    att_params = {
        "W1": jax.random.normal(ks[5], (OUT_G, ATT), jnp.float32) * s,
        "b1": jnp.zeros((ATT,), jnp.float32),
        "W2": jax.random.normal(ks[6], (ATT, 1), jnp.float32) * s,
        "b2": jnp.zeros((1,), jnp.float32),
    }
    clf_params = {
        "W": jax.random.normal(ks[7], (OUT_G, OUT_F), jnp.float32) * s,
        "b": jnp.zeros((OUT_F,), jnp.float32),
    }
    return {
        "x": x,
        "edge_attr": edge_attr,
        "edge_index": edge_index,
        "batch": batch,
        "mp_params": mp_params,
        "att_params": att_params,
        "clf_params": clf_params,
    }


def reference(x, edge_attr, edge_index, batch, mp_params, att_params, clf_params):
    num_nodes = x.shape[0]
    for p in mp_params:
        x = edge_gat_conv(x, edge_index, edge_attr, p, num_nodes)
    A = jnp.tanh(x @ att_params["W1"] + att_params["b1"]) @ att_params["W2"] + att_params["b2"]
    A = A.reshape(-1)
    seg_max = jax.ops.segment_max(A, batch, num_segments=NUM_GRAPHS)
    seg_max = jnp.where(jnp.isfinite(seg_max), seg_max, 0.0)
    ex = jnp.exp(A - seg_max[batch])
    denom = jax.ops.segment_sum(ex, batch, num_segments=NUM_GRAPHS)
    A = ex / (denom[batch] + 1e-16)
    M = jax.ops.segment_sum(x * A[:, None], batch, num_segments=NUM_GRAPHS)
    Y_hat = jax.nn.sigmoid(M @ clf_params["W"] + clf_params["b"])
    return (Y_hat, A)

if __name__ == "__main__":
    import jax
    _d = setup_inputs()
    print(jax.jit(kernel)(*tuple(_d.values())))

</pallas_src>

<mosaic_0001>
#map = affine_map<(d0, d1) -> (0, 0)>
module attributes {stable_mosaic.version = 14 : i64} {
  func.func @k(%arg0: i32, %arg1: i32, %arg2: memref<100000x64xf32, #tpu.memory_space<hbm>>, %arg3: memref<12800x128xi32, #tpu.memory_space<hbm>>, %arg4: memref<12800x128xi32, #tpu.memory_space<hbm>>, %arg5: memref<1638400x64xf32, #tpu.memory_space<hbm>>, %arg6: memref<1638400x64xf32, #tpu.memory_space<hbm>>, %arg7: memref<400x128xi32, #tpu.memory_space<vmem>>, %arg8: memref<2x512x64xf32, #tpu.memory_space<vmem>>, %arg9: memref<!tpu.dma_semaphore, #tpu.memory_space<semaphore_mem>>, %arg10: memref<!tpu.dma_semaphore, #tpu.memory_space<semaphore_mem>>, %arg11: memref<!tpu.dma_semaphore, #tpu.memory_space<semaphore_mem>>) attributes {dimension_semantics = [#tpu.dimension_semantics<core_parallel>, #tpu.dimension_semantics<subcore_parallel>], iteration_bounds = array<i64: 2, 16>, scalar_prefetch = 0 : i64, scratch_operands = 5 : i64, tpu.core_type = #tpu.core_type<sc_vector_subcore>, window_params = [{transform_indices = #map}, {transform_indices = #map}, {transform_indices = #map}, {transform_indices = #map}, {transform_indices = #map}]} {
    %mul3A = arith.constant 2 : i32
    %mul3A_0 = arith.muli %arg1, %mul3A : i32
    %add3A = arith.addi %mul3A_0, %arg0 : i32
    %mul3A_1 = arith.constant 51200 : i32
    %mul3A_2 = arith.muli %add3A, %mul3A_1 : i32
    %mul3A_3 = arith.constant 400 : i32
    %mul3A_4 = arith.muli %add3A, %mul3A_3 : i32
    %dma_start3A = arith.constant 0 : i32
    %dma_start3A_5 = tpu.memref_slice %arg3[%mul3A_4, %dma_start3A] : memref<12800x128xi32, #tpu.memory_space<hbm>> -> memref<400x128xi32, #tpu.memory_space<hbm>>
    %dma_start3A_6 = arith.constant 0 : i32
    %dma_start3A_7 = tpu.memref_slice %arg3[%mul3A_4, %dma_start3A_6] : memref<12800x128xi32, #tpu.memory_space<hbm>> -> memref<400x128xi32, #tpu.memory_space<hbm>>
    tpu.enqueue_dma source(%dma_start3A_7 : memref<400x128xi32, #tpu.memory_space<hbm>>) target(%arg7 : memref<400x128xi32, #tpu.memory_space<vmem>>) target_semaphore(%arg11 : memref<!tpu.dma_semaphore, #tpu.memory_space<semaphore_mem>>)
    %dma_wait3A = arith.constant 0 : i32
    %dma_wait3A_8 = tpu.memref_slice %arg3[%mul3A_4, %dma_wait3A] : memref<12800x128xi32, #tpu.memory_space<hbm>> -> memref<400x128xi32, #tpu.memory_space<hbm>>
    %dma_wait3A_9 = arith.constant 0 : i32
    %dma_wait3A_10 = tpu.memref_slice %arg3[%mul3A_4, %dma_wait3A_9] : memref<12800x128xi32, #tpu.memory_space<hbm>> -> memref<400x128xi32, #tpu.memory_space<hbm>>
    tpu.wait_dma2 semaphore(%arg11 : memref<!tpu.dma_semaphore, #tpu.memory_space<semaphore_mem>>) src(%dma_wait3A_10 : memref<400x128xi32, #tpu.memory_space<hbm>>) dst(%arg7 : memref<400x128xi32, #tpu.memory_space<vmem>>)
    %scan3A = arith.constant 0 : i32
    %scan3A_11 = arith.constant 0 : i32
    %scan3A_12 = arith.constant 100 : i32
    %scan3A_13 = arith.addi %scan3A_11, %scan3A_12 : i32
    %scan3A_14 = arith.constant 1 : i32
    scf.for %scan3A_60 = %scan3A_11 to %scan3A_13 step %scan3A_14  : i32 {
      %rem3A = arith.constant 2 : i32
      %rem3A_61 = arith.remsi %scan3A_60, %rem3A : i32
      %mul3A_62 = arith.constant 4 : i32
      %mul3A_63 = arith.muli %scan3A_60, %mul3A_62 : i32
      %add3A_64 = arith.constant 0 : i32
      %add3A_65 = arith.addi %mul3A_63, %add3A_64 : i32
      %dma_start3A_66 = arith.constant 0 : i32
      %dma_start3A_67 = arith.constant 0 : i32
      %dma_start3A_68 = tpu.memref_slice %arg8[%rem3A_61, %dma_start3A_66, %dma_start3A_67] : memref<2x512x64xf32, #tpu.memory_space<vmem>> -> memref<1x128x64xf32, #tpu.memory_space<vmem>>
      %dma_start3A_69 = tpu.memref_squeeze %dma_start3A_68 : memref<1x128x64xf32, #tpu.memory_space<vmem>> -> memref<128x64xf32, #tpu.memory_space<vmem>>
      %dma_start3A_70 = arith.constant 0 : i32
      %dma_start3A_71 = tpu.memref_slice %arg7[%add3A_65, %dma_start3A_70] : memref<400x128xi32, #tpu.memory_space<vmem>> -> memref<1x128xi32, #tpu.memory_space<vmem>>
      %dma_start3A_72 = tpu.memref_squeeze %dma_start3A_71 : memref<1x128xi32, #tpu.memory_space<vmem>> -> memref<128xi32, #tpu.memory_space<vmem>>
      %dma_start3A_73 = arith.constant 0 : i32
      %dma_start3A_74 = arith.constant 0 : i32
      %dma_start3A_75 = tpu.memref_slice %arg2[%dma_start3A_73, %dma_start3A_74] : memref<100000x64xf32, #tpu.memory_space<hbm>> -> memref<100000x64xf32, #tpu.memory_space<hbm>>
      tpu.enqueue_indirect_dma source(%dma_start3A_75 : memref<100000x64xf32, #tpu.memory_space<hbm>>) target(%dma_start3A_69 : memref<128x64xf32, #tpu.memory_space<vmem>>) offsets(%dma_start3A_72 : memref<128xi32, #tpu.memory_space<vmem>>) semaphore(%arg9 : memref<!tpu.dma_semaphore, #tpu.memory_space<semaphore_mem>>)
      %mul3A_76 = arith.constant 4 : i32
      %mul3A_77 = arith.muli %scan3A_60, %mul3A_76 : i32
      %add3A_78 = arith.constant 1 : i32
      %add3A_79 = arith.addi %mul3A_77, %add3A_78 : i32
      %dma_start3A_80 = arith.constant 128 : i32
      %dma_start3A_81 = arith.constant 0 : i32
      %dma_start3A_82 = tpu.memref_slice %arg8[%rem3A_61, %dma_start3A_80, %dma_start3A_81] : memref<2x512x64xf32, #tpu.memory_space<vmem>> -> memref<1x128x64xf32, #tpu.memory_space<vmem>>
      %dma_start3A_83 = tpu.memref_squeeze %dma_start3A_82 : memref<1x128x64xf32, #tpu.memory_space<vmem>> -> memref<128x64xf32, #tpu.memory_space<vmem>>
      %dma_start3A_84 = arith.constant 0 : i32
      %dma_start3A_85 = tpu.memref_slice %arg7[%add3A_79, %dma_start3A_84] : memref<400x128xi32, #tpu.memory_space<vmem>> -> memref<1x128xi32, #tpu.memory_space<vmem>>
      %dma_start3A_86 = tpu.memref_squeeze %dma_start3A_85 : memref<1x128xi32, #tpu.memory_space<vmem>> -> memref<128xi32, #tpu.memory_space<vmem>>
      %dma_start3A_87 = arith.constant 0 : i32
      %dma_start3A_88 = arith.constant 0 : i32
      %dma_start3A_89 = tpu.memref_slice %arg2[%dma_start3A_87, %dma_start3A_88] : memref<100000x64xf32, #tpu.memory_space<hbm>> -> memref<100000x64xf32, #tpu.memory_space<hbm>>
      tpu.enqueue_indirect_dma source(%dma_start3A_89 : memref<100000x64xf32, #tpu.memory_space<hbm>>) target(%dma_start3A_83 : memref<128x64xf32, #tpu.memory_space<vmem>>) offsets(%dma_start3A_86 : memref<128xi32, #tpu.memory_space<vmem>>) semaphore(%arg9 : memref<!tpu.dma_semaphore, #tpu.memory_space<semaphore_mem>>)
      %mul3A_90 = arith.constant 4 : i32
      %mul3A_91 = arith.muli %scan3A_60, %mul3A_90 : i32
      %add3A_92 = arith.constant 2 : i32
      %add3A_93 = arith.addi %mul3A_91, %add3A_92 : i32
      %dma_start3A_94 = arith.constant 256 : i32
      %dma_start3A_95 = arith.constant 0 : i32
      %dma_start3A_96 = tpu.memref_slice %arg8[%rem3A_61, %dma_start3A_94, %dma_start3A_95] : memref<2x512x64xf32, #tpu.memory_space<vmem>> -> memref<1x128x64xf32, #tpu.memory_space<vmem>>
      %dma_start3A_97 = tpu.memref_squeeze %dma_start3A_96 : memref<1x128x64xf32, #tpu.memory_space<vmem>> -> memref<128x64xf32, #tpu.memory_space<vmem>>
      %dma_start3A_98 = arith.constant 0 : i32
      %dma_start3A_99 = tpu.memref_slice %arg7[%add3A_93, %dma_start3A_98] : memref<400x128xi32, #tpu.memory_space<vmem>> -> memref<1x128xi32, #tpu.memory_space<vmem>>
      %dma_start3A_100 = tpu.memref_squeeze %dma_start3A_99 : memref<1x128xi32, #tpu.memory_space<vmem>> -> memref<128xi32, #tpu.memory_space<vmem>>
      %dma_start3A_101 = arith.constant 0 : i32
      %dma_start3A_102 = arith.constant 0 : i32
      %dma_start3A_103 = tpu.memref_slice %arg2[%dma_start3A_101, %dma_start3A_102] : memref<100000x64xf32, #tpu.memory_space<hbm>> -> memref<100000x64xf32, #tpu.memory_space<hbm>>
      tpu.enqueue_indirect_dma source(%dma_start3A_103 : memref<100000x64xf32, #tpu.memory_space<hbm>>) target(%dma_start3A_97 : memref<128x64xf32, #tpu.memory_space<vmem>>) offsets(%dma_start3A_100 : memref<128xi32, #tpu.memory_space<vmem>>) semaphore(%arg9 : memref<!tpu.dma_semaphore, #tpu.memory_space<semaphore_mem>>)
      %mul3A_104 = arith.constant 4 : i32
      %mul3A_105 = arith.muli %scan3A_60, %mul3A_104 : i32
      %add3A_106 = arith.constant 3 : i32
      %add3A_107 = arith.addi %mul3A_105, %add3A_106 : i32
      %dma_start3A_108 = arith.constant 384 : i32
      %dma_start3A_109 = arith.constant 0 : i32
      %dma_start3A_110 = tpu.memref_slice %arg8[%rem3A_61, %dma_start3A_108, %dma_start3A_109] : memref<2x512x64xf32, #tpu.memory_space<vmem>> -> memref<1x128x64xf32, #tpu.memory_space<vmem>>
      %dma_start3A_111 = tpu.memref_squeeze %dma_start3A_110 : memref<1x128x64xf32, #tpu.memory_space<vmem>> -> memref<128x64xf32, #tpu.memory_space<vmem>>
      %dma_start3A_112 = arith.constant 0 : i32
      %dma_start3A_113 = tpu.memref_slice %arg7[%add3A_107, %dma_start3A_112] : memref<400x128xi32, #tpu.memory_space<vmem>> -> memref<1x128xi32, #tpu.memory_space<vmem>>
      %dma_start3A_114 = tpu.memref_squeeze %dma_start3A_113 : memref<1x128xi32, #tpu.memory_space<vmem>> -> memref<128xi32, #tpu.memory_space<vmem>>
      %dma_start3A_115 = arith.constant 0 : i32
      %dma_start3A_116 = arith.constant 0 : i32
      %dma_start3A_117 = tpu.memref_slice %arg2[%dma_start3A_115, %dma_start3A_116] : memref<100000x64xf32, #tpu.memory_space<hbm>> -> memref<100000x64xf32, #tpu.memory_space<hbm>>
      tpu.enqueue_indirect_dma source(%dma_start3A_117 : memref<100000x64xf32, #tpu.memory_space<hbm>>) target(%dma_start3A_111 : memref<128x64xf32, #tpu.memory_space<vmem>>) offsets(%dma_start3A_114 : memref<128xi32, #tpu.memory_space<vmem>>) semaphore(%arg9 : memref<!tpu.dma_semaphore, #tpu.memory_space<semaphore_mem>>)
      %gt3A = arith.constant 0 : i32
      %gt3A_118 = arith.cmpi sgt, %scan3A_60, %gt3A : i32
      %convert_element_type3A = arith.extui %gt3A_118 : i1 to i32
      %cond3A = arith.constant 0 : i32
      %cond3A_119 = arith.cmpi ne, %convert_element_type3A, %cond3A : i32
      scf.if %cond3A_119 {
        %sub3A = arith.constant 1 : i32
        %sub3A_175 = arith.subi %sub3A, %rem3A_61 : i32
        %dma_wait3A_176 = arith.constant 0 : i32
        %dma_wait3A_177 = arith.constant 0 : i32
        %dma_wait3A_178 = tpu.memref_slice %arg8[%sub3A_175, %dma_wait3A_176, %dma_wait3A_177] : memref<2x512x64xf32, #tpu.memory_space<vmem>> -> memref<1x512x64xf32, #tpu.memory_space<vmem>>
        %dma_wait3A_179 = tpu.memref_squeeze %dma_wait3A_178 : memref<1x512x64xf32, #tpu.memory_space<vmem>> -> memref<512x64xf32, #tpu.memory_space<vmem>>
        %dma_wait3A_180 = arith.constant 0 : i32
        %dma_wait3A_181 = arith.constant 0 : i32
        %dma_wait3A_182 = tpu.memref_slice %arg5[%dma_wait3A_180, %dma_wait3A_181] : memref<1638400x64xf32, #tpu.memory_space<hbm>> -> memref<512x64xf32, #tpu.memory_space<hbm>>
        %dma_wait3A_183 = arith.constant 0 : i32
        %dma_wait3A_184 = arith.constant 0 : i32
        %dma_wait3A_185 = tpu.memref_slice %arg5[%dma_wait3A_183, %dma_wait3A_184] : memref<1638400x64xf32, #tpu.memory_space<hbm>> -> memref<512x64xf32, #tpu.memory_space<hbm>>
        %dma_wait3A_186 = arith.constant 0 : i32
        %dma_wait3A_187 = arith.constant 0 : i32
        %dma_wait3A_188 = tpu.memref_slice %arg8[%sub3A_175, %dma_wait3A_186, %dma_wait3A_187] : memref<2x512x64xf32, #tpu.memory_space<vmem>> -> memref<1x512x64xf32, #tpu.memory_space<vmem>>
        %dma_wait3A_189 = tpu.memref_squeeze %dma_wait3A_188 : memref<1x512x64xf32, #tpu.memory_space<vmem>> -> memref<512x64xf32, #tpu.memory_space<vmem>>
        tpu.wait_dma2 semaphore(%arg10 : memref<!tpu.dma_semaphore, #tpu.memory_space<semaphore_mem>>) src(%dma_wait3A_189 : memref<512x64xf32, #tpu.memory_space<vmem>>) dst(%dma_wait3A_185 : memref<512x64xf32, #tpu.memory_space<hbm>>)
      } else {
      }
      %dma_wait3A_120 = arith.constant 0 : i32
      %dma_wait3A_121 = arith.constant 0 : i32
      %dma_wait3A_122 = tpu.memref_slice %arg8[%rem3A_61, %dma_wait3A_120, %dma_wait3A_121] : memref<2x512x64xf32, #tpu.memory_space<vmem>> -> memref<1x128x64xf32, #tpu.memory_space<vmem>>
      %dma_wait3A_123 = tpu.memref_squeeze %dma_wait3A_122 : memref<1x128x64xf32, #tpu.memory_space<vmem>> -> memref<128x64xf32, #tpu.memory_space<vmem>>
      %dma_wait3A_124 = arith.constant 0 : i32
      %dma_wait3A_125 = tpu.memref_slice %arg7[%add3A_65, %dma_wait3A_124] : memref<400x128xi32, #tpu.memory_space<vmem>> -> memref<1x128xi32, #tpu.memory_space<vmem>>
      %dma_wait3A_126 = tpu.memref_squeeze %dma_wait3A_125 : memref<1x128xi32, #tpu.memory_space<vmem>> -> memref<128xi32, #tpu.memory_space<vmem>>
      %dma_wait3A_127 = arith.constant 0 : i32
      %dma_wait3A_128 = arith.constant 0 : i32
      %dma_wait3A_129 = tpu.memref_slice %arg2[%dma_wait3A_127, %dma_wait3A_128] : memref<100000x64xf32, #tpu.memory_space<hbm>> -> memref<100000x64xf32, #tpu.memory_space<hbm>>
      tpu.wait_indirect_dma semaphore(%arg9 : memref<!tpu.dma_semaphore, #tpu.memory_space<semaphore_mem>>) src(%dma_wait3A_129 : memref<100000x64xf32, #tpu.memory_space<hbm>>) dst(%dma_wait3A_123 : memref<128x64xf32, #tpu.memory_space<vmem>>)
      %dma_wait3A_130 = arith.constant 128 : i32
      %dma_wait3A_131 = arith.constant 0 : i32
      %dma_wait3A_132 = tpu.memref_slice %arg8[%rem3A_61, %dma_wait3A_130, %dma_wait3A_131] : memref<2x512x64xf32, #tpu.memory_space<vmem>> -> memref<1x128x64xf32, #tpu.memory_space<vmem>>
      %dma_wait3A_133 = tpu.memref_squeeze %dma_wait3A_132 : memref<1x128x64xf32, #tpu.memory_space<vmem>> -> memref<128x64xf32, #tpu.memory_space<vmem>>
      %dma_wait3A_134 = arith.constant 0 : i32
      %dma_wait3A_135 = tpu.memref_slice %arg7[%add3A_79, %dma_wait3A_134] : memref<400x128xi32, #tpu.memory_space<vmem>> -> memref<1x128xi32, #tpu.memory_space<vmem>>
      %dma_wait3A_136 = tpu.memref_squeeze %dma_wait3A_135 : memref<1x128xi32, #tpu.memory_space<vmem>> -> memref<128xi32, #tpu.memory_space<vmem>>
      %dma_wait3A_137 = arith.constant 0 : i32
      %dma_wait3A_138 = arith.constant 0 : i32
      %dma_wait3A_139 = tpu.memref_slice %arg2[%dma_wait3A_137, %dma_wait3A_138] : memref<100000x64xf32, #tpu.memory_space<hbm>> -> memref<100000x64xf32, #tpu.memory_space<hbm>>
      tpu.wait_indirect_dma semaphore(%arg9 : memref<!tpu.dma_semaphore, #tpu.memory_space<semaphore_mem>>) src(%dma_wait3A_139 : memref<100000x64xf32, #tpu.memory_space<hbm>>) dst(%dma_wait3A_133 : memref<128x64xf32, #tpu.memory_space<vmem>>)
      %dma_wait3A_140 = arith.constant 256 : i32
      %dma_wait3A_141 = arith.constant 0 : i32
      %dma_wait3A_142 = tpu.memref_slice %arg8[%rem3A_61, %dma_wait3A_140, %dma_wait3A_141] : memref<2x512x64xf32, #tpu.memory_space<vmem>> -> memref<1x128x64xf32, #tpu.memory_space<vmem>>
      %dma_wait3A_143 = tpu.memref_squeeze %dma_wait3A_142 : memref<1x128x64xf32, #tpu.memory_space<vmem>> -> memref<128x64xf32, #tpu.memory_space<vmem>>
      %dma_wait3A_144 = arith.constant 0 : i32
      %dma_wait3A_145 = tpu.memref_slice %arg7[%add3A_93, %dma_wait3A_144] : memref<400x128xi32, #tpu.memory_space<vmem>> -> memref<1x128xi32, #tpu.memory_space<vmem>>
      %dma_wait3A_146 = tpu.memref_squeeze %dma_wait3A_145 : memref<1x128xi32, #tpu.memory_space<vmem>> -> memref<128xi32, #tpu.memory_space<vmem>>
      %dma_wait3A_147 = arith.constant 0 : i32
      %dma_wait3A_148 = arith.constant 0 : i32
      %dma_wait3A_149 = tpu.memref_slice %arg2[%dma_wait3A_147, %dma_wait3A_148] : memref<100000x64xf32, #tpu.memory_space<hbm>> -> memref<100000x64xf32, #tpu.memory_space<hbm>>
      tpu.wait_indirect_dma semaphore(%arg9 : memref<!tpu.dma_semaphore, #tpu.memory_space<semaphore_mem>>) src(%dma_wait3A_149 : memref<100000x64xf32, #tpu.memory_space<hbm>>) dst(%dma_wait3A_143 : memref<128x64xf32, #tpu.memory_space<vmem>>)
      %dma_wait3A_150 = arith.constant 384 : i32
      %dma_wait3A_151 = arith.constant 0 : i32
      %dma_wait3A_152 = tpu.memref_slice %arg8[%rem3A_61, %dma_wait3A_150, %dma_wait3A_151] : memref<2x512x64xf32, #tpu.memory_space<vmem>> -> memref<1x128x64xf32, #tpu.memory_space<vmem>>
      %dma_wait3A_153 = tpu.memref_squeeze %dma_wait3A_152 : memref<1x128x64xf32, #tpu.memory_space<vmem>> -> memref<128x64xf32, #tpu.memory_space<vmem>>
      %dma_wait3A_154 = arith.constant 0 : i32
      %dma_wait3A_155 = tpu.memref_slice %arg7[%add3A_107, %dma_wait3A_154] : memref<400x128xi32, #tpu.memory_space<vmem>> -> memref<1x128xi32, #tpu.memory_space<vmem>>
      %dma_wait3A_156 = tpu.memref_squeeze %dma_wait3A_155 : memref<1x128xi32, #tpu.memory_space<vmem>> -> memref<128xi32, #tpu.memory_space<vmem>>
      %dma_wait3A_157 = arith.constant 0 : i32
      %dma_wait3A_158 = arith.constant 0 : i32
      %dma_wait3A_159 = tpu.memref_slice %arg2[%dma_wait3A_157, %dma_wait3A_158] : memref<100000x64xf32, #tpu.memory_space<hbm>> -> memref<100000x64xf32, #tpu.memory_space<hbm>>
      tpu.wait_indirect_dma semaphore(%arg9 : memref<!tpu.dma_semaphore, #tpu.memory_space<semaphore_mem>>) src(%dma_wait3A_159 : memref<100000x64xf32, #tpu.memory_space<hbm>>) dst(%dma_wait3A_153 : memref<128x64xf32, #tpu.memory_space<vmem>>)
      %mul3A_160 = arith.constant 512 : i32
      %mul3A_161 = arith.muli %scan3A_60, %mul3A_160 : i32
      %add3A_162 = arith.addi %mul3A_2, %mul3A_161 : i32
      %dma_start3A_163 = arith.constant 0 : i32
      %dma_start3A_164 = arith.constant 0 : i32
      %dma_start3A_165 = tpu.memref_slice %arg8[%rem3A_61, %dma_start3A_163, %dma_start3A_164] : memref<2x512x64xf32, #tpu.memory_space<vmem>> -> memref<1x512x64xf32, #tpu.memory_space<vmem>>
      %dma_start3A_166 = tpu.memref_squeeze %dma_start3A_165 : memref<1x512x64xf32, #tpu.memory_space<vmem>> -> memref<512x64xf32, #tpu.memory_space<vmem>>
      %dma_start3A_167 = arith.constant 0 : i32
      %dma_start3A_168 = tpu.memref_slice %arg5[%add3A_162, %dma_start3A_167] : memref<1638400x64xf32, #tpu.memory_space<hbm>> -> memref<512x64xf32, #tpu.memory_space<hbm>>
      %dma_start3A_169 = arith.constant 0 : i32
      %dma_start3A_170 = tpu.memref_slice %arg5[%add3A_162, %dma_start3A_169] : memref<1638400x64xf32, #tpu.memory_space<hbm>> -> memref<512x64xf32, #tpu.memory_space<hbm>>
      %dma_start3A_171 = arith.constant 0 : i32
      %dma_start3A_172 = arith.constant 0 : i32
      %dma_start3A_173 = tpu.memref_slice %arg8[%rem3A_61, %dma_start3A_171, %dma_start3A_172] : memref<2x512x64xf32, #tpu.memory_space<vmem>> -> memref<1x512x64xf32, #tpu.memory_space<vmem>>
      %dma_start3A_174 = tpu.memref_squeeze %dma_start3A_173 : memref<1x512x64xf32, #tpu.memory_space<vmem>> -> memref<512x64xf32, #tpu.memory_space<vmem>>
      tpu.enqueue_dma source(%dma_start3A_174 : memref<512x64xf32, #tpu.memory_space<vmem>>) target(%dma_start3A_170 : memref<512x64xf32, #tpu.memory_space<hbm>>) target_semaphore(%arg10 : memref<!tpu.dma_semaphore, #tpu.memory_space<semaphore_mem>>)
    }
    %scan3A_15 = arith.constant 100 : i32
    %dma_wait3A_16 = arith.constant 0 : i32
    %dma_wait3A_17 = arith.constant 0 : i32
    %dma_wait3A_18 = arith.constant 0 : i32
    %dma_wait3A_19 = tpu.memref_slice %arg8[%dma_wait3A_16, %dma_wait3A_17, %dma_wait3A_18] : memref<2x512x64xf32, #tpu.memory_space<vmem>> -> memref<1x512x64xf32, #tpu.memory_space<vmem>>
    %dma_wait3A_20 = tpu.memref_squeeze %dma_wait3A_19 : memref<1x512x64xf32, #tpu.memory_space<vmem>> -> memref<512x64xf32, #tpu.memory_space<vmem>>
    %dma_wait3A_21 = arith.constant 0 : i32
    %dma_wait3A_22 = arith.constant 0 : i32
    %dma_wait3A_23 = tpu.memref_slice %arg5[%dma_wait3A_21, %dma_wait3A_22] : memref<1638400x64xf32, #tpu.memory_space<hbm>> -> memref<512x64xf32, #tpu.memory_space<hbm>>
    %dma_wait3A_24 = arith.constant 0 : i32
    %dma_wait3A_25 = arith.constant 0 : i32
    %dma_wait3A_26 = tpu.memref_slice %arg5[%dma_wait3A_24, %dma_wait3A_25] : memref<1638400x64xf32, #tpu.memory_space<hbm>> -> memref<512x64xf32, #tpu.memory_space<hbm>>
    %dma_wait3A_27 = arith.constant 0 : i32
    %dma_wait3A_28 = arith.constant 0 : i32
    %dma_wait3A_29 = tpu.memref_slice %arg8[%dma_wait3A_16, %dma_wait3A_27, %dma_wait3A_28] : memref<2x512x64xf32, #tpu.memory_space<vmem>> -> memref<1x512x64xf32, #tpu.memory_space<vmem>>
    %dma_wait3A_30 = tpu.memref_squeeze %dma_wait3A_29 : memref<1x512x64xf32, #tpu.memory_space<vmem>> -> memref<512x64xf32, #tpu.memory_space<vmem>>
    tpu.wait_dma2 semaphore(%arg10 : memref<!tpu.dma_semaphore, #tpu.memory_space<semaphore_mem>>) src(%dma_wait3A_30 : memref<512x64xf32, #tpu.memory_space<vmem>>) dst(%dma_wait3A_26 : memref<512x64xf32, #tpu.memory_space<hbm>>)
    %dma_start3A_31 = arith.constant 0 : i32
    %dma_start3A_32 = tpu.memref_slice %arg4[%mul3A_4, %dma_start3A_31] : memref<12800x128xi32, #tpu.memory_space<hbm>> -> memref<400x128xi32, #tpu.memory_space<hbm>>
    %dma_start3A_33 = arith.constant 0 : i32
    %dma_start3A_34 = tpu.memref_slice %arg4[%mul3A_4, %dma_start3A_33] : memref<12800x128xi32, #tpu.memory_space<hbm>> -> memref<400x128xi32, #tpu.memory_space<hbm>>
    tpu.enqueue_dma source(%dma_start3A_34 : memref<400x128xi32, #tpu.memory_space<hbm>>) target(%arg7 : memref<400x128xi32, #tpu.memory_space<vmem>>) target_semaphore(%arg11 : memref<!tpu.dma_semaphore, #tpu.memory_space<semaphore_mem>>)
    %dma_wait3A_35 = arith.constant 0 : i32
    %dma_wait3A_36 = tpu.memref_slice %arg4[%mul3A_4, %dma_wait3A_35] : memref<12800x128xi32, #tpu.memory_space<hbm>> -> memref<400x128xi32, #tpu.memory_space<hbm>>
    %dma_wait3A_37 = arith.constant 0 : i32
    %dma_wait3A_38 = tpu.memref_slice %arg4[%mul3A_4, %dma_wait3A_37] : memref<12800x128xi32, #tpu.memory_space<hbm>> -> memref<400x128xi32, #tpu.memory_space<hbm>>
    tpu.wait_dma2 semaphore(%arg11 : memref<!tpu.dma_semaphore, #tpu.memory_space<semaphore_mem>>) src(%dma_wait3A_38 : memref<400x128xi32, #tpu.memory_space<hbm>>) dst(%arg7 : memref<400x128xi32, #tpu.memory_space<vmem>>)
    %scan3A_39 = arith.constant 0 : i32
    %scan3A_40 = arith.constant 0 : i32
    %scan3A_41 = arith.constant 100 : i32
    %scan3A_42 = arith.addi %scan3A_40, %scan3A_41 : i32
    %scan3A_43 = arith.constant 1 : i32
    scf.for %scan3A_60 = %scan3A_40 to %scan3A_42 step %scan3A_43  : i32 {
      %rem3A = arith.constant 2 : i32
      %rem3A_61 = arith.remsi %scan3A_60, %rem3A : i32
      %mul3A_62 = arith.constant 4 : i32
      %mul3A_63 = arith.muli %scan3A_60, %mul3A_62 : i32
      %add3A_64 = arith.constant 0 : i32
      %add3A_65 = arith.addi %mul3A_63, %add3A_64 : i32
      %dma_start3A_66 = arith.constant 0 : i32
      %dma_start3A_67 = arith.constant 0 : i32
      %dma_start3A_68 = tpu.memref_slice %arg8[%rem3A_61, %dma_start3A_66, %dma_start3A_67] : memref<2x512x64xf32, #tpu.memory_space<vmem>> -> memref<1x128x64xf32, #tpu.memory_space<vmem>>
      %dma_start3A_69 = tpu.memref_squeeze %dma_start3A_68 : memref<1x128x64xf32, #tpu.memory_space<vmem>> -> memref<128x64xf32, #tpu.memory_space<vmem>>
      %dma_start3A_70 = arith.constant 0 : i32
      %dma_start3A_71 = tpu.memref_slice %arg7[%add3A_65, %dma_start3A_70] : memref<400x128xi32, #tpu.memory_space<vmem>> -> memref<1x128xi32, #tpu.memory_space<vmem>>
      %dma_start3A_72 = tpu.memref_squeeze %dma_start3A_71 : memref<1x128xi32, #tpu.memory_space<vmem>> -> memref<128xi32, #tpu.memory_space<vmem>>
      %dma_start3A_73 = arith.constant 0 : i32
      %dma_start3A_74 = arith.constant 0 : i32
      %dma_start3A_75 = tpu.memref_slice %arg2[%dma_start3A_73, %dma_start3A_74] : memref<100000x64xf32, #tpu.memory_space<hbm>> -> memref<100000x64xf32, #tpu.memory_space<hbm>>
      tpu.enqueue_indirect_dma source(%dma_start3A_75 : memref<100000x64xf32, #tpu.memory_space<hbm>>) target(%dma_start3A_69 : memref<128x64xf32, #tpu.memory_space<vmem>>) offsets(%dma_start3A_72 : memref<128xi32, #tpu.memory_space<vmem>>) semaphore(%arg9 : memref<!tpu.dma_semaphore, #tpu.memory_space<semaphore_mem>>)
      %mul3A_76 = arith.constant 4 : i32
      %mul3A_77 = arith.muli %scan3A_60, %mul3A_76 : i32
      %add3A_78 = arith.constant 1 : i32
      %add3A_79 = arith.addi %mul3A_77, %add3A_78 : i32
      %dma_start3A_80 = arith.constant 128 : i32
      %dma_start3A_81 = arith.constant 0 : i32
      %dma_start3A_82 = tpu.memref_slice %arg8[%rem3A_61, %dma_start3A_80, %dma_start3A_81] : memref<2x512x64xf32, #tpu.memory_space<vmem>> -> memref<1x128x64xf32, #tpu.memory_space<vmem>>
      %dma_start3A_83 = tpu.memref_squeeze %dma_start3A_82 : memref<1x128x64xf32, #tpu.memory_space<vmem>> -> memref<128x64xf32, #tpu.memory_space<vmem>>
      %dma_start3A_84 = arith.constant 0 : i32
      %dma_start3A_85 = tpu.memref_slice %arg7[%add3A_79, %dma_start3A_84] : memref<400x128xi32, #tpu.memory_space<vmem>> -> memref<1x128xi32, #tpu.memory_space<vmem>>
      %dma_start3A_86 = tpu.memref_squeeze %dma_start3A_85 : memref<1x128xi32, #tpu.memory_space<vmem>> -> memref<128xi32, #tpu.memory_space<vmem>>
      %dma_start3A_87 = arith.constant 0 : i32
      %dma_start3A_88 = arith.constant 0 : i32
      %dma_start3A_89 = tpu.memref_slice %arg2[%dma_start3A_87, %dma_start3A_88] : memref<100000x64xf32, #tpu.memory_space<hbm>> -> memref<100000x64xf32, #tpu.memory_space<hbm>>
      tpu.enqueue_indirect_dma source(%dma_start3A_89 : memref<100000x64xf32, #tpu.memory_space<hbm>>) target(%dma_start3A_83 : memref<128x64xf32, #tpu.memory_space<vmem>>) offsets(%dma_start3A_86 : memref<128xi32, #tpu.memory_space<vmem>>) semaphore(%arg9 : memref<!tpu.dma_semaphore, #tpu.memory_space<semaphore_mem>>)
      %mul3A_90 = arith.constant 4 : i32
      %mul3A_91 = arith.muli %scan3A_60, %mul3A_90 : i32
      %add3A_92 = arith.constant 2 : i32
      %add3A_93 = arith.addi %mul3A_91, %add3A_92 : i32
      %dma_start3A_94 = arith.constant 256 : i32
      %dma_start3A_95 = arith.constant 0 : i32
      %dma_start3A_96 = tpu.memref_slice %arg8[%rem3A_61, %dma_start3A_94, %dma_start3A_95] : memref<2x512x64xf32, #tpu.memory_space<vmem>> -> memref<1x128x64xf32, #tpu.memory_space<vmem>>
      %dma_start3A_97 = tpu.memref_squeeze %dma_start3A_96 : memref<1x128x64xf32, #tpu.memory_space<vmem>> -> memref<128x64xf32, #tpu.memory_space<vmem>>
      %dma_start3A_98 = arith.constant 0 : i32
      %dma_start3A_99 = tpu.memref_slice %arg7[%add3A_93, %dma_start3A_98] : memref<400x128xi32, #tpu.memory_space<vmem>> -> memref<1x128xi32, #tpu.memory_space<vmem>>
      %dma_start3A_100 = tpu.memref_squeeze %dma_start3A_99 : memref<1x128xi32, #tpu.memory_space<vmem>> -> memref<128xi32, #tpu.memory_space<vmem>>
      %dma_start3A_101 = arith.constant 0 : i32
      %dma_start3A_102 = arith.constant 0 : i32
      %dma_start3A_103 = tpu.memref_slice %arg2[%dma_start3A_101, %dma_start3A_102] : memref<100000x64xf32, #tpu.memory_space<hbm>> -> memref<100000x64xf32, #tpu.memory_space<hbm>>
      tpu.enqueue_indirect_dma source(%dma_start3A_103 : memref<100000x64xf32, #tpu.memory_space<hbm>>) target(%dma_start3A_97 : memref<128x64xf32, #tpu.memory_space<vmem>>) offsets(%dma_start3A_100 : memref<128xi32, #tpu.memory_space<vmem>>) semaphore(%arg9 : memref<!tpu.dma_semaphore, #tpu.memory_space<semaphore_mem>>)
      %mul3A_104 = arith.constant 4 : i32
      %mul3A_105 = arith.muli %scan3A_60, %mul3A_104 : i32
      %add3A_106 = arith.constant 3 : i32
      %add3A_107 = arith.addi %mul3A_105, %add3A_106 : i32
      %dma_start3A_108 = arith.constant 384 : i32
      %dma_start3A_109 = arith.constant 0 : i32
      %dma_start3A_110 = tpu.memref_slice %arg8[%rem3A_61, %dma_start3A_108, %dma_start3A_109] : memref<2x512x64xf32, #tpu.memory_space<vmem>> -> memref<1x128x64xf32, #tpu.memory_space<vmem>>
      %dma_start3A_111 = tpu.memref_squeeze %dma_start3A_110 : memref<1x128x64xf32, #tpu.memory_space<vmem>> -> memref<128x64xf32, #tpu.memory_space<vmem>>
      %dma_start3A_112 = arith.constant 0 : i32
      %dma_start3A_113 = tpu.memref_slice %arg7[%add3A_107, %dma_start3A_112] : memref<400x128xi32, #tpu.memory_space<vmem>> -> memref<1x128xi32, #tpu.memory_space<vmem>>
      %dma_start3A_114 = tpu.memref_squeeze %dma_start3A_113 : memref<1x128xi32, #tpu.memory_space<vmem>> -> memref<128xi32, #tpu.memory_space<vmem>>
      %dma_start3A_115 = arith.constant 0 : i32
      %dma_start3A_116 = arith.constant 0 : i32
      %dma_start3A_117 = tpu.memref_slice %arg2[%dma_start3A_115, %dma_start3A_116] : memref<100000x64xf32, #tpu.memory_space<hbm>> -> memref<100000x64xf32, #tpu.memory_space<hbm>>
      tpu.enqueue_indirect_dma source(%dma_start3A_117 : memref<100000x64xf32, #tpu.memory_space<hbm>>) target(%dma_start3A_111 : memref<128x64xf32, #tpu.memory_space<vmem>>) offsets(%dma_start3A_114 : memref<128xi32, #tpu.memory_space<vmem>>) semaphore(%arg9 : memref<!tpu.dma_semaphore, #tpu.memory_space<semaphore_mem>>)
      %gt3A = arith.constant 0 : i32
      %gt3A_118 = arith.cmpi sgt, %scan3A_60, %gt3A : i32
      %convert_element_type3A = arith.extui %gt3A_118 : i1 to i32
      %cond3A = arith.constant 0 : i32
      %cond3A_119 = arith.cmpi ne, %convert_element_type3A, %cond3A : i32
      scf.if %cond3A_119 {
        %sub3A = arith.constant 1 : i32
        %sub3A_175 = arith.subi %sub3A, %rem3A_61 : i32
        %dma_wait3A_176 = arith.constant 0 : i32
        %dma_wait3A_177 = arith.constant 0 : i32
        %dma_wait3A_178 = tpu.memref_slice %arg8[%sub3A_175, %dma_wait3A_176, %dma_wait3A_177] : memref<2x512x64xf32, #tpu.memory_space<vmem>> -> memref<1x512x64xf32, #tpu.memory_space<vmem>>
        %dma_wait3A_179 = tpu.memref_squeeze %dma_wait3A_178 : memref<1x512x64xf32, #tpu.memory_space<vmem>> -> memref<512x64xf32, #tpu.memory_space<vmem>>
        %dma_wait3A_180 = arith.constant 0 : i32
        %dma_wait3A_181 = arith.constant 0 : i32
        %dma_wait3A_182 = tpu.memref_slice %arg6[%dma_wait3A_180, %dma_wait3A_181] : memref<1638400x64xf32, #tpu.memory_space<hbm>> -> memref<512x64xf32, #tpu.memory_space<hbm>>
        %dma_wait3A_183 = arith.constant 0 : i32
        %dma_wait3A_184 = arith.constant 0 : i32
        %dma_wait3A_185 = tpu.memref_slice %arg6[%dma_wait3A_183, %dma_wait3A_184] : memref<1638400x64xf32, #tpu.memory_space<hbm>> -> memref<512x64xf32, #tpu.memory_space<hbm>>
        %dma_wait3A_186 = arith.constant 0 : i32
        %dma_wait3A_187 = arith.constant 0 : i32
        %dma_wait3A_188 = tpu.memref_slice %arg8[%sub3A_175, %dma_wait3A_186, %dma_wait3A_187] : memref<2x512x64xf32, #tpu.memory_space<vmem>> -> memref<1x512x64xf32, #tpu.memory_space<vmem>>
        %dma_wait3A_189 = tpu.memref_squeeze %dma_wait3A_188 : memref<1x512x64xf32, #tpu.memory_space<vmem>> -> memref<512x64xf32, #tpu.memory_space<vmem>>
        tpu.wait_dma2 semaphore(%arg10 : memref<!tpu.dma_semaphore, #tpu.memory_space<semaphore_mem>>) src(%dma_wait3A_189 : memref<512x64xf32, #tpu.memory_space<vmem>>) dst(%dma_wait3A_185 : memref<512x64xf32, #tpu.memory_space<hbm>>)
      } else {
      }
      %dma_wait3A_120 = arith.constant 0 : i32
      %dma_wait3A_121 = arith.constant 0 : i32
      %dma_wait3A_122 = tpu.memref_slice %arg8[%rem3A_61, %dma_wait3A_120, %dma_wait3A_121] : memref<2x512x64xf32, #tpu.memory_space<vmem>> -> memref<1x128x64xf32, #tpu.memory_space<vmem>>
      %dma_wait3A_123 = tpu.memref_squeeze %dma_wait3A_122 : memref<1x128x64xf32, #tpu.memory_space<vmem>> -> memref<128x64xf32, #tpu.memory_space<vmem>>
      %dma_wait3A_124 = arith.constant 0 : i32
      %dma_wait3A_125 = tpu.memref_slice %arg7[%add3A_65, %dma_wait3A_124] : memref<400x128xi32, #tpu.memory_space<vmem>> -> memref<1x128xi32, #tpu.memory_space<vmem>>
      %dma_wait3A_126 = tpu.memref_squeeze %dma_wait3A_125 : memref<1x128xi32, #tpu.memory_space<vmem>> -> memref<128xi32, #tpu.memory_space<vmem>>
      %dma_wait3A_127 = arith.constant 0 : i32
      %dma_wait3A_128 = arith.constant 0 : i32
      %dma_wait3A_129 = tpu.memref_slice %arg2[%dma_wait3A_127, %dma_wait3A_128] : memref<100000x64xf32, #tpu.memory_space<hbm>> -> memref<100000x64xf32, #tpu.memory_space<hbm>>
      tpu.wait_indirect_dma semaphore(%arg9 : memref<!tpu.dma_semaphore, #tpu.memory_space<semaphore_mem>>) src(%dma_wait3A_129 : memref<100000x64xf32, #tpu.memory_space<hbm>>) dst(%dma_wait3A_123 : memref<128x64xf32, #tpu.memory_space<vmem>>)
      %dma_wait3A_130 = arith.constant 128 : i32
      %dma_wait3A_131 = arith.constant 0 : i32
      %dma_wait3A_132 = tpu.memref_slice %arg8[%rem3A_61, %dma_wait3A_130, %dma_wait3A_131] : memref<2x512x64xf32, #tpu.memory_space<vmem>> -> memref<1x128x64xf32, #tpu.memory_space<vmem>>
      %dma_wait3A_133 = tpu.memref_squeeze %dma_wait3A_132 : memref<1x128x64xf32, #tpu.memory_space<vmem>> -> memref<128x64xf32, #tpu.memory_space<vmem>>
      %dma_wait3A_134 = arith.constant 0 : i32
      %dma_wait3A_135 = tpu.memref_slice %arg7[%add3A_79, %dma_wait3A_134] : memref<400x128xi32, #tpu.memory_space<vmem>> -> memref<1x128xi32, #tpu.memory_space<vmem>>
      %dma_wait3A_136 = tpu.memref_squeeze %dma_wait3A_135 : memref<1x128xi32, #tpu.memory_space<vmem>> -> memref<128xi32, #tpu.memory_space<vmem>>
      %dma_wait3A_137 = arith.constant 0 : i32
      %dma_wait3A_138 = arith.constant 0 : i32
      %dma_wait3A_139 = tpu.memref_slice %arg2[%dma_wait3A_137, %dma_wait3A_138] : memref<100000x64xf32, #tpu.memory_space<hbm>> -> memref<100000x64xf32, #tpu.memory_space<hbm>>
      tpu.wait_indirect_dma semaphore(%arg9 : memref<!tpu.dma_semaphore, #tpu.memory_space<semaphore_mem>>) src(%dma_wait3A_139 : memref<100000x64xf32, #tpu.memory_space<hbm>>) dst(%dma_wait3A_133 : memref<128x64xf32, #tpu.memory_space<vmem>>)
      %dma_wait3A_140 = arith.constant 256 : i32
      %dma_wait3A_141 = arith.constant 0 : i32
      %dma_wait3A_142 = tpu.memref_slice %arg8[%rem3A_61, %dma_wait3A_140, %dma_wait3A_141] : memref<2x512x64xf32, #tpu.memory_space<vmem>> -> memref<1x128x64xf32, #tpu.memory_space<vmem>>
      %dma_wait3A_143 = tpu.memref_squeeze %dma_wait3A_142 : memref<1x128x64xf32, #tpu.memory_space<vmem>> -> memref<128x64xf32, #tpu.memory_space<vmem>>
      %dma_wait3A_144 = arith.constant 0 : i32
      %dma_wait3A_145 = tpu.memref_slice %arg7[%add3A_93, %dma_wait3A_144] : memref<400x128xi32, #tpu.memory_space<vmem>> -> memref<1x128xi32, #tpu.memory_space<vmem>>
      %dma_wait3A_146 = tpu.memref_squeeze %dma_wait3A_145 : memref<1x128xi32, #tpu.memory_space<vmem>> -> memref<128xi32, #tpu.memory_space<vmem>>
      %dma_wait3A_147 = arith.constant 0 : i32
      %dma_wait3A_148 = arith.constant 0 : i32
      %dma_wait3A_149 = tpu.memref_slice %arg2[%dma_wait3A_147, %dma_wait3A_148] : memref<100000x64xf32, #tpu.memory_space<hbm>> -> memref<100000x64xf32, #tpu.memory_space<hbm>>
      tpu.wait_indirect_dma semaphore(%arg9 : memref<!tpu.dma_semaphore, #tpu.memory_space<semaphore_mem>>) src(%dma_wait3A_149 : memref<100000x64xf32, #tpu.memory_space<hbm>>) dst(%dma_wait3A_143 : memref<128x64xf32, #tpu.memory_space<vmem>>)
      %dma_wait3A_150 = arith.constant 384 : i32
      %dma_wait3A_151 = arith.constant 0 : i32
      %dma_wait3A_152 = tpu.memref_slice %arg8[%rem3A_61, %dma_wait3A_150, %dma_wait3A_151] : memref<2x512x64xf32, #tpu.memory_space<vmem>> -> memref<1x128x64xf32, #tpu.memory_space<vmem>>
      %dma_wait3A_153 = tpu.memref_squeeze %dma_wait3A_152 : memref<1x128x64xf32, #tpu.memory_space<vmem>> -> memref<128x64xf32, #tpu.memory_space<vmem>>
      %dma_wait3A_154 = arith.constant 0 : i32
      %dma_wait3A_155 = tpu.memref_slice %arg7[%add3A_107, %dma_wait3A_154] : memref<400x128xi32, #tpu.memory_space<vmem>> -> memref<1x128xi32, #tpu.memory_space<vmem>>
      %dma_wait3A_156 = tpu.memref_squeeze %dma_wait3A_155 : memref<1x128xi32, #tpu.memory_space<vmem>> -> memref<128xi32, #tpu.memory_space<vmem>>
      %dma_wait3A_157 = arith.constant 0 : i32
      %dma_wait3A_158 = arith.constant 0 : i32
      %dma_wait3A_159 = tpu.memref_slice %arg2[%dma_wait3A_157, %dma_wait3A_158] : memref<100000x64xf32, #tpu.memory_space<hbm>> -> memref<100000x64xf32, #tpu.memory_space<hbm>>
      tpu.wait_indirect_dma semaphore(%arg9 : memref<!tpu.dma_semaphore, #tpu.memory_space<semaphore_mem>>) src(%dma_wait3A_159 : memref<100000x64xf32, #tpu.memory_space<hbm>>) dst(%dma_wait3A_153 : memref<128x64xf32, #tpu.memory_space<vmem>>)
      %mul3A_160 = arith.constant 512 : i32
      %mul3A_161 = arith.muli %scan3A_60, %mul3A_160 : i32
      %add3A_162 = arith.addi %mul3A_2, %mul3A_161 : i32
      %dma_start3A_163 = arith.constant 0 : i32
      %dma_start3A_164 = arith.constant 0 : i32
      %dma_start3A_165 = tpu.memref_slice %arg8[%rem3A_61, %dma_start3A_163, %dma_start3A_164] : memref<2x512x64xf32, #tpu.memory_space<vmem>> -> memref<1x512x64xf32, #tpu.memory_space<vmem>>
      %dma_start3A_166 = tpu.memref_squeeze %dma_start3A_165 : memref<1x512x64xf32, #tpu.memory_space<vmem>> -> memref<512x64xf32, #tpu.memory_space<vmem>>
      %dma_start3A_167 = arith.constant 0 : i32
      %dma_start3A_168 = tpu.memref_slice %arg6[%add3A_162, %dma_start3A_167] : memref<1638400x64xf32, #tpu.memory_space<hbm>> -> memref<512x64xf32, #tpu.memory_space<hbm>>
      %dma_start3A_169 = arith.constant 0 : i32
      %dma_start3A_170 = tpu.memref_slice %arg6[%add3A_162, %dma_start3A_169] : memref<1638400x64xf32, #tpu.memory_space<hbm>> -> memref<512x64xf32, #tpu.memory_space<hbm>>
      %dma_start3A_171 = arith.constant 0 : i32
      %dma_start3A_172 = arith.constant 0 : i32
      %dma_start3A_173 = tpu.memref_slice %arg8[%rem3A_61, %dma_start3A_171, %dma_start3A_172] : memref<2x512x64xf32, #tpu.memory_space<vmem>> -> memref<1x512x64xf32, #tpu.memory_space<vmem>>
      %dma_start3A_174 = tpu.memref_squeeze %dma_start3A_173 : memref<1x512x64xf32, #tpu.memory_space<vmem>> -> memref<512x64xf32, #tpu.memory_space<vmem>>
      tpu.enqueue_dma source(%dma_start3A_174 : memref<512x64xf32, #tpu.memory_space<vmem>>) target(%dma_start3A_170 : memref<512x64xf32, #tpu.memory_space<hbm>>) target_semaphore(%arg10 : memref<!tpu.dma_semaphore, #tpu.memory_space<semaphore_mem>>)
    }
    %scan3A_44 = arith.constant 100 : i32
    %dma_wait3A_45 = arith.constant 0 : i32
    %dma_wait3A_46 = arith.constant 0 : i32
    %dma_wait3A_47 = arith.constant 0 : i32
    %dma_wait3A_48 = tpu.memref_slice %arg8[%dma_wait3A_45, %dma_wait3A_46, %dma_wait3A_47] : memref<2x512x64xf32, #tpu.memory_space<vmem>> -> memref<1x512x64xf32, #tpu.memory_space<vmem>>
    %dma_wait3A_49 = tpu.memref_squeeze %dma_wait3A_48 : memref<1x512x64xf32, #tpu.memory_space<vmem>> -> memref<512x64xf32, #tpu.memory_space<vmem>>
    %dma_wait3A_50 = arith.constant 0 : i32
    %dma_wait3A_51 = arith.constant 0 : i32
    %dma_wait3A_52 = tpu.memref_slice %arg6[%dma_wait3A_50, %dma_wait3A_51] : memref<1638400x64xf32, #tpu.memory_space<hbm>> -> memref<512x64xf32, #tpu.memory_space<hbm>>
    %dma_wait3A_53 = arith.constant 0 : i32
    %dma_wait3A_54 = arith.constant 0 : i32
    %dma_wait3A_55 = tpu.memref_slice %arg6[%dma_wait3A_53, %dma_wait3A_54] : memref<1638400x64xf32, #tpu.memory_space<hbm>> -> memref<512x64xf32, #tpu.memory_space<hbm>>
    %dma_wait3A_56 = arith.constant 0 : i32
    %dma_wait3A_57 = arith.constant 0 : i32
    %dma_wait3A_58 = tpu.memref_slice %arg8[%dma_wait3A_45, %dma_wait3A_56, %dma_wait3A_57] : memref<2x512x64xf32, #tpu.memory_space<vmem>> -> memref<1x512x64xf32, #tpu.memory_space<vmem>>
    %dma_wait3A_59 = tpu.memref_squeeze %dma_wait3A_58 : memref<1x512x64xf32, #tpu.memory_space<vmem>> -> memref<512x64xf32, #tpu.memory_space<vmem>>
    tpu.wait_dma2 semaphore(%arg10 : memref<!tpu.dma_semaphore, #tpu.memory_space<semaphore_mem>>) src(%dma_wait3A_59 : memref<512x64xf32, #tpu.memory_space<vmem>>) dst(%dma_wait3A_55 : memref<512x64xf32, #tpu.memory_space<hbm>>)
    return
  }
}

</mosaic_0001>

<sc_bundles>
// kernel: _sc_gather.3.cloned.1.call-start
scs
__scs_entry_jumppad:
0x0: {  	(pc) =	sbr.rel $0x88, $3  }
0x1: {  	(tag) =	ssettag $0x0;
	lr =	simm.s32 $0x1  }
0x2: {  	[smem:$0x3F9E] =	sst lr;
	_ =	strace $0xD0000000  }
0x3: {  	_ = 	snop  }
0x4: {  	_ = 	snop  }
0x5: {  	_ = 	snop  }
0x6: {  	_ = 	snop  }
0x7: {  	_ = 	snop  }
__scs_overlays_trampoline_lowered:
0x8: {  	[smem:$0x3FAD] =	sst s0  }
0x9: {  	[smem:$0x3FAE] =	sst s1  }
0xa: {  	[smem:$0x3FAF] =	sst s2  }
0xb: {  	[smem:$0x3FB0] =	sst s3  }
0xc: {  	[smem:$0x3FB1] =	sst s4  }
0xd: {  	[smem:$0x3FB2] =	sst s5  }
0xe: {  	[smem:$0x3FB3] =	sst s6  }
0xf: {  	[smem:$0x3FB4] =	sst s7  }
0x10: {  	[smem:$0x3FB5] =	sst s8  }
0x11: {  	[smem:$0x3FB6] =	sst s9;
	s0 =	simm.s32 @!p0 $0x0  }
0x12: {  	s1 =	sld [smem:$0x3F9C];
	s0 =	simm.s32 @p0 $0x1  }
0x13: {  	[smem:$0x3FB7] =	sst s0;
	s0 =	simm.s32 @!p1 $0x0  }
0x14: {  	s2 =	sld [smem:$0x3F9B];
	s0 =	simm.s32 @p1 $0x1  }
0x15: {  	[smem:$0x3FB8] =	sst s0;
	s0 =	simm.s32 @!p2 $0x0  }
0x16: {  	s3 =	sld [smem:$0x3FDB];
	s0 =	simm.s32 @p2 $0x1  }
0x17: {  	s4 =	simm.s32 $0x1BF5;
	[smem:$0x3FBA] =	sst s0  }
0x18: {  	s0 =	sld [smem:$0x3F9D];
	_ =	swait.ge [sflag:s4], $0x0  }
0x19: {  	s7 =	sld [smem:$0x3F9E]  }
0x1a: {  	s8 =	sadd.s32 $0xFFFFE003, lr  }
0x1b: {  	s9 =	sadd.s32 $0xFFFFFEF7, lr;
	s5 =	simm.s32 $0xFFFFFFFF;
	p2 =	slt.u32 s8, $0xFFFFF086  }
0x1c: {  	p1 =	slt.u32 s9, $0xF7A;
	s5 =	simm.s32 @!p2 $0x0  }
0x1d: {  	s5 =	simm.s32 @p1 $0x1;
	p0 =	seq.s32 s7, s2  }
0x1e: {  	s7 =	smul.u32 @!p0 $0xF7A, s2;
	p2 =	seq.s32 @!p0 s5, $0x0  }
0x1f: {  	s9 =	smul.u32 $0xF7A, s1;
	s8 =	simm.s32 @!p0 $0x1BF5;
	p2 =	por !p2, p0  }
0x20: {  	[sflag:s8] =	ssyncset.s32 @!p0 $0xFFFFF086;
	s6 =	sadd.s32 @!p0 s3, s7;
	s7 =	simm.s32 @!p0 $0x108  }
0x21: {  	s3 =	sadd.s32 s3, s9;
	s6 =	sadd.s32 @!p0 $0x88, s6;
	s7 =	simm.s32 @p2 $0x1082  }
0x22: {  	[simem:s7], [sflag:s8] =	dma.local @!p0 [hbm:s6], $0xF7A  }
0x23: {  	s9 =	sor.u32 $0xD0000000, s2;
	s6 =	simm.s32 $0x108;
	_ =	swait.ge @!p0 [sflag:s8], $0x0  }
0x24: {  	s3 =	sadd.s32 $0x88, s3;
	s6 =	simm.s32 @!p1 $0x1082;
	[sflag:s4] =	ssyncset.s32 $0xFFFFF086  }
0x25: {  	[simem:s6], [sflag:s4] =	dma.local [hbm:s3], $0xF7A  }
0x26: {  	[smem:$0x3F9E] =	sst s1;
	(tag) =	ssettag s2;
	_ =	strace s9  }
0x27: {  	s1 =	sld [smem:$0x3FAE]  }
0x28: {  	s2 =	sld [smem:$0x3FAF]  }
0x29: {  	s4 =	sld [smem:$0x3FB1]  }
0x2a: {  	p0 =	seq.s32 s5, $0x0;
	s5 =	sld [smem:$0x3FB2]  }
0x2b: {  	s6 =	sld [smem:$0x3FB3]  }
0x2c: {  	s7 =	sld [smem:$0x3FB4]  }
0x2d: {  	s3 =	simm.s32 $0x108;
	s8 =	sld [smem:$0x3FB5]  }
0x2e: {  	s3 =	simm.s32 @!p0 $0x1082;
	s9 =	sld [smem:$0x3FB6]  }
0x2f: {  	lr =	sadd.s32 s0, s3;
	s0 =	sld [smem:$0x3FAD]  }
0x30: {  	s3 =	sld [smem:$0x3FB0]  }
0x31: {  	[smem:$0x3FB9] =	sst s10  }
0x32: {  	s10 =	sld [smem:$0x3FB7];
	_ =	sdelay $0x3  }
0x33: {  	p0 =	seq.s32 s10, $0x1;
	s10 =	sld [smem:$0x3FB9];
	_ =	sdelay $0x3  }
0x34: {  	[smem:$0x3FB9] =	sst s10  }
0x35: {  	s10 =	sld [smem:$0x3FB8];
	_ =	sdelay $0x3  }
0x36: {  	p1 =	seq.s32 s10, $0x1;
	s10 =	sld [smem:$0x3FB9];
	_ =	sdelay $0x3  }
0x37: {  	[smem:$0x3FB9] =	sst s10  }
0x38: {  	s10 =	sld [smem:$0x3FBA]  }
0x39: {  	_ = 	snop;
	(pc) =	sbr.ind lr, $3  }
0x3a: {  	_ = 	snop  }
0x3b: {  	_ = 	snop  }
0x3c: {  	p2 =	seq.s32 s10, $0x1;
	s10 =	sld [smem:$0x3FB9]  }
0x3d: {  	_ =	shalt  }
0x3e: {  	_ =	shalt  }
0x3f: {  	_ =	shalt  }
0x40: {  	_ =	shalt  }
0x41: {  	_ =	shalt  }
0x42: {  	_ =	shalt  }
0x43: {  	_ =	shalt  }
0x44: {  	_ =	shalt  }
0x45: {  	_ =	shalt  }
0x46: {  	_ =	shalt  }
0x47: {  	_ =	shalt  }
0x48: {  	_ =	shalt  }
0x49: {  	_ =	shalt  }
0x4a: {  	_ =	shalt  }
0x4b: {  	_ =	shalt  }
0x4c: {  	_ =	shalt  }
0x4d: {  	_ =	shalt  }
0x4e: {  	_ =	shalt  }
0x4f: {  	_ =	shalt  }
0x50: {  	_ =	shalt  }
0x51: {  	_ =	shalt  }
0x52: {  	_ =	shalt  }
0x53: {  	_ =	shalt  }
0x54: {  	_ =	shalt  }
0x55: {  	_ =	shalt  }
0x56: {  	_ =	shalt  }
0x57: {  	_ =	shalt  }
0x58: {  	_ =	shalt  }
0x59: {  	_ =	shalt  }
0x5a: {  	_ =	shalt  }
0x5b: {  	_ =	shalt  }
0x5c: {  	_ =	shalt  }
0x5d: {  	_ =	shalt  }
0x5e: {  	_ =	shalt  }
0x5f: {  	_ =	shalt  }
0x60: {  	_ =	shalt  }
0x61: {  	_ =	shalt  }
0x62: {  	_ =	shalt  }
0x63: {  	_ =	shalt  }
0x64: {  	_ =	shalt  }
0x65: {  	_ =	shalt  }
0x66: {  	_ =	shalt  }
0x67: {  	_ =	shalt  }
0x68: {  	_ =	shalt  }
0x69: {  	_ =	shalt  }
0x6a: {  	_ =	shalt  }
0x6b: {  	_ =	shalt  }
0x6c: {  	_ =	shalt  }
0x6d: {  	_ =	shalt  }
0x6e: {  	_ =	shalt  }
0x6f: {  	_ =	shalt  }
0x70: {  	_ =	shalt  }
0x71: {  	_ =	shalt  }
0x72: {  	_ =	shalt  }
0x73: {  	_ =	shalt  }
0x74: {  	_ =	shalt  }
0x75: {  	_ =	shalt  }
0x76: {  	_ =	shalt  }
0x77: {  	_ =	shalt  }
0x78: {  	_ =	shalt  }
0x79: {  	_ =	shalt  }
0x7a: {  	_ =	shalt  }
0x7b: {  	_ =	shalt  }
0x7c: {  	_ =	shalt  }
0x7d: {  	_ =	shalt  }
0x7e: {  	_ =	shalt  }
0x7f: {  	_ =	shalt  }
0x80: {  	_ =	shalt  }
0x81: {  	_ =	shalt  }
0x82: {  	_ =	shalt  }
0x83: {  	_ =	shalt  }
0x84: {  	_ =	shalt  }
0x85: {  	_ =	shalt  }
0x86: {  	_ =	shalt  }
0x87: {  	_ =	shalt  }
.Lfunc_end0:
.L_simem_size_0:
called_computation.2_lowered:
.L_overlay_start_0:
0x88: {  	s2 =	sld [smem:$0x3FD9]  }
0x89: {  	s3 =	sld [smem:$0x3FFE];
	_ =	sdelay $0x1  }
0x8a: {  	s1 =	srdreg.scid  }
0x8b: {  	s0 =	sand.u32 $0x1, s1  }
0x8c: {  	s14 =	sshll.u32 s0, $0xA;
	s2 =	sadd.s32 s3, s2  }
0x8d: {  	s2 =	sadd.s32 s2, s14  }
0x8e: {  	[smem:$0x3FC5] =	sst s2  }
0x8f: {  	_ = 	snop  }
0x90: {  	s2 =	sld [smem:$0x3FD0];
	_ =	sdelay $0x1  }
0x91: {  	s15 =	sld [smem:$0x3FC8]  }
0x92: {  	s5 =	simm.s32 $0xB;
	s6 =	simm.s32 $0x10;
	s4 =	sld [smem:$0x3FC7]  }
0x93: {  	[smem:s6], [sflag:s5] =	dma.local [hbm:s2], $0x1  }
0x94: {  	_ =	swait.eq [sflag:s5], $0x1  }
0x95: {  	[sflag:s5] =	ssyncset.done $0x0  }
0x96: {  	s16 =	sld [smem:$0x10];
	[sflag:s5] =	ssyncadd.s32 $0xFFFFFFFF  }
0x97: {  	s17 =	sld [smem:$0x11];
	(tm) =	ssettm $0x1  }
0x98: {  	s18 =	sld [smem:$0x3FFB];
	_ =	sdelay $0x3  }
0x99: {  	_ =	strace s18  }
0x9a: {  	s6 =	sld [smem:$0x3FFC];
	_ =	sdelay $0x3  }
0x9b: {  	_ =	strace s6  }
0x9c: {  	s6 =	sld [smem:$0x3FFD];
	_ =	sdelay $0x3  }
0x9d: {  	_ =	strace s6  }
0x9e: {  	_ =	strace $0x8FFFFFFF  }
0x9f: {  	s19 =	sld [smem:$0x3FDB];
	_ =	sdelay $0x1  }
0xa0: {  	s7 =	simm.s32 $_scs_section_size  }
0xa1: {  	s8 =	simm.s32 $_size__tile_overlayer_lowered;
	s9 =	simm.s32 $_tile_overlayer_lowered  }
0xa2: {  	s22 =	simm.s32 $0x1BFF;
	s21 =	sshll.u32 s9, $0x1;
	s6 =	sadd.s32 s7, s19  }
0xa3: {  	s10 =	simm.s32 $0x0;
	s20 =	sshll.u32 s8, $0x1;
	s8 =	sadd.s32 s21, s6  }
0xa4: {  	[timem:s10], [sflag:s22] =	dma.local [hbm:s8], s20  }
0xa5: {  	_ =	swait.ge [sflag:s22], s20  }
0xa6: {  	s7 =	ssub.s32 $0x0, s20;
	[sflag:s22] =	ssyncset.done $0x0  }
0xa7: {  	[sflag:s22] =	ssyncadd.s32 s7;
	_ =	sdelay $0x1  }
0xa8: {  	s23 =	simm.s32 $0x1B8B  }
0xa9: {  	_ =	swait.ge [sflag:s23], $0x1  }
0xaa: {  	[sflag:s23] =	ssyncset.done $0x0  }
0xab: {  	s25 =	simm.s32 $0x1B8E;
	s24 =	sld [smem:$0x3FFE];
	[sflag:s23] =	ssyncadd.s32 $0xFFFFFFFF  }
0xac: {  	s26 =	simm.s32 $execute0_lowered;
	[smem:$0x3FD2] =	sst s25  }
0xad: {  	s8 =	sshll.u32 s26, $0x1;
	_ =	strace $0x80000046;
	[dreg:$0x1] =	wrdreg $0xFFFFFFFF  }
0xae: {  	s28 =	simm.s32 $_size_execute0_lowered;
	s6 =	sadd.s32 s6, s8;
	[dreg:$0x0] =	wrdreg $0x0  }
0xaf: {  	s8 =	sshll.u32 s28, $0x1;
	[dreg:$0x2] =	wrdreg s6  }
0xb0: {  	[dreg:$0x3] =	wrdreg s8  }
0xb1: {  	[dreg:$0x4] =	wrdreg $0xC0  }
0xb2: {  	_ =	task [dreg:s10], $0x5FFFF  }
0xb3: {  	[dreg:$0x1] =	wrdreg $0xFFFFFFFF  }
0xb4: {  	[dreg:$0x0] =	wrdreg $0x60  }
0xb5: {  	[dreg:$0x2] =	wrdreg s24  }
0xb6: {  	[dreg:$0x3] =	wrdreg s15  }
0xb7: {  	[dreg:$0x4] =	wrdreg s4  }
0xb8: {  	[dreg:$0x5] =	wrdreg s16  }
0xb9: {  	[dreg:$0x6] =	wrdreg s17  }
0xba: {  	[dreg:$0x7] =	wrdreg $0x9  }
0xbb: {  	_ =	task.clear_ibuf [dreg:s10], $0x8FFFF;
	_ =	strace $0x90000046  }
0xbc: {  	s29 =	simm.s32 $0x9;
	_ =	strace $0x80000048  }
0xbd: {  	_ =	swait.ge [sflag:s29], $0x1  }
0xbe: {  	[sflag:s29] =	ssyncadd.s32 $0xFFFFFFFF  }
0xbf: {  	_ =	strace $0x90000048  }
0xc0: {  	_ =	sfence  }
0xc1: {  	s30 =	sld [smem:$0x0];
	_ =	sdelay $0x2  }
0xc2: {  	s31 =	sshll.u32 s1, $0xD;
	s1 =	sshrl.u32 s1, $0x2  }
0xc3: {  	s3 =	sand.u32 $0x4000, s31;
	s1 =	sadd.s32 s1, s30  }
0xc4: {  	s0 =	sor.u32 s3, s0;
	s1 =	sshll.u32 s1, $0x11  }
0xc5: {  	s0 =	sor.u32 s1, s0  }
0xc6: {  	s0 =	sadd.s32 $0x8F2B, s0  }
0xc7: {  	[sflag:s0] =	ssyncadd.remote.s32 $0x1  }
0xc8: {  	_ =	sfence.sel $0xFFFF  }
0xc9: {  	[dreg:$0x0] =	wrdreg $0xFFFFFFFF;
	(pc) =	sbr.abs _section_cstart, $3  }
0xca: {  	[dreg:$0x1] =	wrdreg $0xFFFFFFFF  }
0xcb: {  	_ =	task.clear_ibuf [dreg:s10], $0x2FFFF;
	_ =	strace $0x9FFFFFFF  }
0xcc: {  	(tm) =	ssettm $0x7FFFFFFF  }
0xcd: {  	_ =	shalt  }
tec
execute0_lowered:
.L_overlay_start_1:
0x0: {  	(tag) =	ssettag $0x1  }
0x1: {  	s3 =	rddreg [dreg:$0x0]  }
0x2: {  	s4 =	rddreg [dreg:$0x1]  }
0x3: {  	s5 =	rddreg [dreg:$0x2]  }
0x4: {  	s9 =	rddreg [dreg:$0x3]  }
0x5: {  	s10 =	rddreg [dreg:$0x4]  }
0x6: {  	s2 =	simm.s32 $0x0;
	s6 =	srdreg.scid;
	s0 =	stileid.u32  }
0x7: {  	s14 =	simm.s32 $0xE800;
	s15 =	simm.s32 $0x100;
	s16 =	simm.s32 $0x10800  }
0x8: {  	s17 =	simm.s32 $0x180;
	s18 =	simm.s32 $0x12800;
	s19 =	simm.s32 $0x1  }
0x9: {  	s20 =	simm.s32 $0x2;
	s21 =	simm.s32 $0x0;
	[smem:$0x7FF] =	sst s2  }
0xa: {  	s6 =	sand.u32 $0x1, s6;
	s7 =	sshll.u32 s0, $0x1;
	s8 =	smul.u32 $0x640000, s0  }
0xb: {  	s11 =	ssub.s32 $0x2, s6;
	s7 =	sor.u32 s6, s7;
	s6 =	smul.u32 $0x320000, s6  }
0xc: {  	s3 =	sadd.s32 $0x1000, s3;
	s12 =	sshrl.u32 s11, $0x1;
	s13 =	smul.u32 $0x1900, s7  }
0xd: {  	_ =	strace $0x80000047;
	s7 =	smul.u32 $0x320000, s7;
	s11 =	ssub.s32 s11, s12  }
0xe: {  	s6 =	sadd.s32 s6, s8;
	s12 =	simm.s32 $0x80;
	s29 =	sadd.s32 s4, s13  }
0xf: {  	s5 =	sadd.s32 s5, s13;
	s8 =	sor.u32 $0x8000, s6;
	s6 =	smax.u32 s11, $0x1  }
0x10: {  	s30 =	sshrl.u32 s7, $0x3;
	s11 =	simm.s32 $0x3;
	s13 =	simm.s32 $0xC800  }
0x11: {  	[dreg:$0x6] =	wrdreg s29;
	s31 =	sshrl.u32 s8, $0x3;
	s7 =	sadd.s32 s9, s30  }
0x12: {  	s8 =	sadd.s32 s10, s30;
	s9 =	sadd.s32 s31, s9;
	s10 =	sadd.s32 s31, s10  }
.LBB2_1:
0x13: {  	s0 =	rddreg [dreg:$0x6]  }
0x14: {  	[tilespmem:s2], [sflag:$0x3] =	stream.linear.gather [hbm4b:s0+s2], $0xC800, $0x38;
	[tilespmem:$0x1C800] =	vst v63  }
0x15: {  	_ =	swait.ge [sflag:s11], $0xC800  }
0x16: {  	[sflag:s11] =	ssyncset.done $0x0  }
0x17: {  	[sflag:s11] =	ssyncadd.s32 $0xFFFF3800  }
0x18: {  	[tilespmem:s13], [sflag:$0x1] =	stream.indirect.gather [hbm4b:s3+s12], $0x40, s2, s12, $0xb8;
	[tilespmem:$0x1C800] =	vst v63  }
0x19: {  	_ = 	snop  }
0x1a: {  	[tilespmem:s14], [sflag:$0x1] =	stream.indirect.gather [hbm4b:s3+s12], $0x40, s12, s12, $0xb8;
	[tilespmem:$0x1C800] =	vst v63  }
0x1b: {  	_ = 	snop  }
0x1c: {  	[tilespmem:s16], [sflag:$0x1] =	stream.indirect.gather [hbm4b:s3+s12], $0x40, s15, s12, $0xb8;
	[tilespmem:$0x1C800] =	vst v63  }
0x1d: {  	_ = 	snop  }
0x1e: {  	[tilespmem:s18], [sflag:$0x1] =	stream.indirect.gather [hbm4b:s3+s12], $0x40, s17, s12, $0xb8;
	[tilespmem:$0x1C800] =	vst v63  }
0x1f: {  	_ =	swait.ge [sflag:s19], $0x2000  }
0x20: {  	[sflag:s19] =	ssyncset.done $0x0  }
0x21: {  	[sflag:s19] =	ssyncadd.s32 $0xFFFFE000  }
0x22: {  	_ =	swait.ge [sflag:s19], $0x2000  }
0x23: {  	[sflag:s19] =	ssyncset.done $0x0  }
0x24: {  	[sflag:s19] =	ssyncadd.s32 $0xFFFFE000  }
0x25: {  	_ =	swait.ge [sflag:s19], $0x2000  }
0x26: {  	[sflag:s19] =	ssyncset.done $0x0  }
0x27: {  	[sflag:s19] =	ssyncadd.s32 $0xFFFFE000  }
0x28: {  	_ =	swait.ge [sflag:s19], $0x2000  }
0x29: {  	s22 =	simm.s32 $0x8000;
	[sflag:s19] =	ssyncset.done $0x0  }
0x2a: {  	s22 =	sand.u32 $0x8000, s22;
	[sflag:s19] =	ssyncadd.s32 $0xFFFFE000  }
0x2b: {  	[hbm4b:s7+s2] =	stream.linear.scatter [tilespmem:s13], [sflag:$0x2], $0x8000, $0x38;
	[tilespmem:$0x1C800] =	vst v63  }
0x2c: {  	s24 =	simm.s32 $0x200;
	s23 =	sadd.s32 $0xC800, s22  }
0x2d: {  	[tilespmem:s23], [sflag:$0x1] =	stream.indirect.gather [hbm4b:s3+s12], $0x40, s24, s12, $0xb8;
	[tilespmem:$0x1C800] =	vst v63  }
0x2e: {  	s0 =	simm.s32 $0x280;
	s25 =	sadd.s32 $0xE800, s22  }
0x2f: {  	[tilespmem:s25], [sflag:$0x1] =	stream.indirect.gather [hbm4b:s3+s12], $0x40, s0, s12, $0xb8;
	[tilespmem:$0x1C800] =	vst v63  }
0x30: {  	s4 =	simm.s32 $0x300;
	s1 =	sor.u32 $0x10800, s22  }
0x31: {  	[tilespmem:s1], [sflag:$0x1] =	stream.indirect.gather [hbm4b:s3+s12], $0x40, s4, s12, $0xb8;
	[tilespmem:$0x1C800] =	vst v63  }
0x32: {  	s26 =	simm.s32 $0x380;
	s22 =	sor.u32 $0x12800, s22  }
0x33: {  	[tilespmem:s22], [sflag:$0x1] =	stream.indirect.gather [hbm4b:s3+s12], $0x40, s26, s12, $0xb8;
	[tilespmem:$0x1C800] =	vst v63  }
0x34: {  	_ =	swait.ge [sflag:s20], $0x8000  }
0x35: {  	[sflag:s20] =	ssyncset.done $0x0  }
0x36: {  	[sflag:s20] =	ssyncadd.s32 $0xFFFF8000  }
0x37: {  	_ =	swait.ge [sflag:s19], $0x2000  }
0x38: {  	[sflag:s19] =	ssyncset.done $0x0  }
0x39: {  	[sflag:s19] =	ssyncadd.s32 $0xFFFFE000  }
0x3a: {  	_ =	swait.ge [sflag:s19], $0x2000  }
0x3b: {  	[sflag:s19] =	ssyncset.done $0x0  }
0x3c: {  	[sflag:s19] =	ssyncadd.s32 $0xFFFFE000  }
0x3d: {  	_ =	swait.ge [sflag:s19], $0x2000  }
0x3e: {  	[sflag:s19] =	ssyncset.done $0x0  }
0x3f: {  	s31 =	simm.s32 $0x10000;
	s30 =	simm.s32 $0x1000;
	[sflag:s19] =	ssyncadd.s32 $0xFFFFE000  }
0x40: {  	s29 =	simm.s32 $0x480;
	s28 =	smov.u32 s9;
	_ =	swait.ge [sflag:s19], $0x2000  }
0x41: {  	s24 =	simm.s32 $0x200;
	s25 =	sand.u32 $0x8000, s31;
	[sflag:s19] =	ssyncset.done $0x0  }
0x42: {  	s22 =	sadd.s32 $0x1000, s9;
	s26 =	simm.s32 $0x18000;
	[sflag:s19] =	ssyncadd.s32 $0xFFFFE000  }
.LBB2_2:
0x43: {  	[hbm4b:s28+s2] =	stream.linear.scatter [tilespmem:s23], [sflag:$0x2], $0x8000, $0x38;
	[tilespmem:$0x1C800] =	vst v63  }
0x44: {  	s23 =	smov.u32 s30;
	s28 =	smov.u32 s22  }
0x45: {  	s31 =	sshra.s32 s30, $0x2;
	s0 =	sadd.s32 $0x200, s24;
	s23 =	sadd.s32 $0xC800, s25  }
0x46: {  	[tilespmem:s23], [sflag:$0x1] =	stream.indirect.gather [hbm4b:s3+s12], $0x40, s0, s12, $0xb8;
	[tilespmem:$0x1C800] =	vst v63  }
0x47: {  	s1 =	sadd.s32 $0x800, s30;
	s4 =	sadd.s32 $0xE800, s25;
	s0 =	sand.u32 $0x8000, s26  }
0x48: {  	[tilespmem:s4], [sflag:$0x1] =	stream.indirect.gather [hbm4b:s3+s12], $0x40, s29, s12, $0xb8;
	[tilespmem:$0x1C800] =	vst v63  }
0x49: {  	p0 =	sne.s32 s30, $0x31000;
	s4 =	sor.u32 $0x10800, s25;
	s29 =	sadd.s32 $0x300, s24  }
0x4a: {  	[tilespmem:s4], [sflag:$0x1] =	stream.indirect.gather [hbm4b:s3+s12], $0x40, s29, s12, $0xb8;
	[tilespmem:$0x1C800] =	vst v63  }
0x4b: {  	s4 =	sor.u32 $0x12800, s25;
	s25 =	sadd.s32 $0x380, s24;
	s24 =	smov.u32 s31  }
0x4c: {  	[tilespmem:s4], [sflag:$0x1] =	stream.indirect.gather [hbm4b:s3+s12], $0x40, s25, s12, $0xb8;
	[tilespmem:$0x1C800] =	vst v63  }
0x4d: {  	s25 =	smov.u32 s0;
	_ =	swait.ge [sflag:s20], $0x8000  }
0x4e: {  	[sflag:s20] =	ssyncset.done $0x0  }
0x4f: {  	[sflag:s20] =	ssyncadd.s32 $0xFFFF8000  }
0x50: {  	_ =	swait.ge [sflag:s19], $0x2000  }
0x51: {  	[sflag:s19] =	ssyncset.done $0x0  }
0x52: {  	[sflag:s19] =	ssyncadd.s32 $0xFFFFE000  }
0x53: {  	_ =	swait.ge [sflag:s19], $0x2000  }
0x54: {  	[sflag:s19] =	ssyncset.done $0x0  }
0x55: {  	[sflag:s19] =	ssyncadd.s32 $0xFFFFE000  }
0x56: {  	_ =	swait.ge [sflag:s19], $0x2000  }
.Ltmp0:
0x57: {  	[sflag:s19] =	ssyncset.done $0x0;
	(pc) =	sbr.rel @p0 .LBB2_2-.Ltmp0, $4  }
0x58: {  	[sflag:s19] =	ssyncadd.s32 $0xFFFFE000  }
0x59: {  	_ =	swait.ge [sflag:s19], $0x2000  }
0x5a: {  	s22 =	sadd.s32 $0x1000, s22;
	s30 =	smov.u32 s1;
	[sflag:s19] =	ssyncset.done $0x0  }
0x5b: {  	s26 =	sadd.s32 $0x8000, s26;
	s29 =	sadd.s32 $0x280, s24;
	[sflag:s19] =	ssyncadd.s32 $0xFFFFE000  }
0x5c: {  	[hbm4b:s28+s2] =	stream.linear.scatter [tilespmem:s23], [sflag:$0x2], $0x8000, $0x38;
	[tilespmem:$0x1C800] =	vst v63  }
0x5d: {  	s0 =	sadd.s32 $0xC800, s25;
	s1 =	sadd.s32 $0x200, s24  }
0x5e: {  	[tilespmem:s0], [sflag:$0x1] =	stream.indirect.gather [hbm4b:s3+s12], $0x40, s1, s12, $0xb8;
	[tilespmem:$0x1C800] =	vst v63  }
0x5f: {  	s26 =	sadd.s32 $0xE800, s25  }
0x60: {  	[tilespmem:s26], [sflag:$0x1] =	stream.indirect.gather [hbm4b:s3+s12], $0x40, s29, s12, $0xb8;
	[tilespmem:$0x1C800] =	vst v63  }
0x61: {  	s31 =	sor.u32 $0x10800, s25;
	s4 =	sadd.s32 $0x300, s24  }
0x62: {  	[tilespmem:s31], [sflag:$0x1] =	stream.indirect.gather [hbm4b:s3+s12], $0x40, s4, s12, $0xb8;
	[tilespmem:$0x1C800] =	vst v63  }
0x63: {  	s23 =	sor.u32 $0x12800, s25;
	s24 =	sadd.s32 $0x380, s24  }
0x64: {  	[tilespmem:s23], [sflag:$0x1] =	stream.indirect.gather [hbm4b:s3+s12], $0x40, s24, s12, $0xb8;
	[tilespmem:$0x1C800] =	vst v63  }
0x65: {  	_ =	swait.ge [sflag:s20], $0x8000  }
0x66: {  	[sflag:s20] =	ssyncset.done $0x0  }
0x67: {  	[sflag:s20] =	ssyncadd.s32 $0xFFFF8000  }
0x68: {  	_ =	swait.ge [sflag:s19], $0x2000  }
0x69: {  	[sflag:s19] =	ssyncset.done $0x0  }
0x6a: {  	[sflag:s19] =	ssyncadd.s32 $0xFFFFE000  }
0x6b: {  	_ =	swait.ge [sflag:s19], $0x2000  }
0x6c: {  	[sflag:s19] =	ssyncset.done $0x0  }
0x6d: {  	[sflag:s19] =	ssyncadd.s32 $0xFFFFE000  }
0x6e: {  	_ =	swait.ge [sflag:s19], $0x2000  }
0x6f: {  	[sflag:s19] =	ssyncset.done $0x0  }
0x70: {  	[sflag:s19] =	ssyncadd.s32 $0xFFFFE000  }
0x71: {  	_ =	swait.ge [sflag:s19], $0x2000  }
0x72: {  	[sflag:s19] =	ssyncset.done $0x0  }
0x73: {  	[sflag:s19] =	ssyncadd.s32 $0xFFFFE000  }
0x74: {  	[hbm4b:s22+s2] =	stream.linear.scatter [tilespmem:s0], [sflag:$0x2], $0x8000, $0x38;
	[tilespmem:$0x1C800] =	vst v63  }
0x75: {  	_ =	swait.ge [sflag:s20], $0x8000  }
0x76: {  	[sflag:s20] =	ssyncset.done $0x0  }
0x77: {  	s25 =	simm.s32 $0x0;
	[sflag:s20] =	ssyncadd.s32 $0xFFFF8000  }
0x78: {  	[tilespmem:s25], [sflag:$0x3] =	stream.linear.gather [hbm4b:s5+s25], $0xC800, $0x38;
	[tilespmem:$0x1C800] =	vst v63  }
0x79: {  	_ =	swait.ge [sflag:s11], $0xC800  }
0x7a: {  	[sflag:s11] =	ssyncset.done $0x0  }
0x7b: {  	[sflag:s11] =	ssyncadd.s32 $0xFFFF3800  }
0x7c: {  	[tilespmem:s13], [sflag:$0x1] =	stream.indirect.gather [hbm4b:s3+s12], $0x40, s25, s12, $0xb8;
	[tilespmem:$0x1C800] =	vst v63  }
0x7d: {  	_ = 	snop  }
0x7e: {  	[tilespmem:s14], [sflag:$0x1] =	stream.indirect.gather [hbm4b:s3+s12], $0x40, s12, s12, $0xb8;
	[tilespmem:$0x1C800] =	vst v63  }
0x7f: {  	_ = 	snop  }
0x80: {  	[tilespmem:s16], [sflag:$0x1] =	stream.indirect.gather [hbm4b:s3+s12], $0x40, s15, s12, $0xb8;
	[tilespmem:$0x1C800] =	vst v63  }
0x81: {  	_ = 	snop  }
0x82: {  	[tilespmem:s18], [sflag:$0x1] =	stream.indirect.gather [hbm4b:s3+s12], $0x40, s17, s12, $0xb8;
	[tilespmem:$0x1C800] =	vst v63  }
0x83: {  	_ =	swait.ge [sflag:s19], $0x2000  }
0x84: {  	[sflag:s19] =	ssyncset.done $0x0  }
0x85: {  	[sflag:s19] =	ssyncadd.s32 $0xFFFFE000  }
0x86: {  	_ =	swait.ge [sflag:s19], $0x2000  }
0x87: {  	[sflag:s19] =	ssyncset.done $0x0  }
0x88: {  	[sflag:s19] =	ssyncadd.s32 $0xFFFFE000  }
0x89: {  	_ =	swait.ge [sflag:s19], $0x2000  }
0x8a: {  	[sflag:s19] =	ssyncset.done $0x0  }
0x8b: {  	[sflag:s19] =	ssyncadd.s32 $0xFFFFE000  }
0x8c: {  	_ =	swait.ge [sflag:s19], $0x2000  }
0x8d: {  	s26 =	simm.s32 $0x8000;
	[sflag:s19] =	ssyncset.done $0x0  }
0x8e: {  	s0 =	sand.u32 $0x8000, s26;
	[sflag:s19] =	ssyncadd.s32 $0xFFFFE000  }
0x8f: {  	[hbm4b:s8+s25] =	stream.linear.scatter [tilespmem:s13], [sflag:$0x2], $0x8000, $0x38;
	[tilespmem:$0x1C800] =	vst v63  }
0x90: {  	s31 =	simm.s32 $0x200;
	s23 =	sadd.s32 $0xC800, s0  }
0x91: {  	[tilespmem:s23], [sflag:$0x1] =	stream.indirect.gather [hbm4b:s3+s12], $0x40, s31, s12, $0xb8;
	[tilespmem:$0x1C800] =	vst v63  }
0x92: {  	s4 =	simm.s32 $0x280;
	s22 =	sadd.s32 $0xE800, s0  }
0x93: {  	[tilespmem:s22], [sflag:$0x1] =	stream.indirect.gather [hbm4b:s3+s12], $0x40, s4, s12, $0xb8;
	[tilespmem:$0x1C800] =	vst v63  }
0x94: {  	s24 =	sor.u32 $0x10800, s0;
	s25 =	simm.s32 $0x300  }
0x95: {  	[tilespmem:s24], [sflag:$0x1] =	stream.indirect.gather [hbm4b:s3+s12], $0x40, s25, s12, $0xb8;
	[tilespmem:$0x1C800] =	vst v63  }
0x96: {  	s26 =	simm.s32 $0x380;
	s0 =	sor.u32 $0x12800, s0  }
0x97: {  	[tilespmem:s0], [sflag:$0x1] =	stream.indirect.gather [hbm4b:s3+s12], $0x40, s26, s12, $0xb8;
	[tilespmem:$0x1C800] =	vst v63  }
0x98: {  	_ =	swait.ge [sflag:s20], $0x8000  }
0x99: {  	[sflag:s20] =	ssyncset.done $0x0  }
0x9a: {  	[sflag:s20] =	ssyncadd.s32 $0xFFFF8000  }
0x9b: {  	_ =	swait.ge [sflag:s19], $0x2000  }
0x9c: {  	[sflag:s19] =	ssyncset.done $0x0  }
0x9d: {  	[sflag:s19] =	ssyncadd.s32 $0xFFFFE000  }
0x9e: {  	_ =	swait.ge [sflag:s19], $0x2000  }
0x9f: {  	[sflag:s19] =	ssyncset.done $0x0  }
0xa0: {  	[sflag:s19] =	ssyncadd.s32 $0xFFFFE000  }
0xa1: {  	_ =	swait.ge [sflag:s19], $0x2000  }
0xa2: {  	[sflag:s19] =	ssyncset.done $0x0  }
0xa3: {  	s30 =	simm.s32 $0x1000;
	s28 =	smov.u32 s10;
	[sflag:s19] =	ssyncadd.s32 $0xFFFFE000  }
0xa4: {  	s29 =	simm.s32 $0x480;
	s31 =	simm.s32 $0x10000;
	_ =	swait.ge [sflag:s19], $0x2000  }
0xa5: {  	s22 =	sadd.s32 $0x1000, s10;
	s24 =	simm.s32 $0x200;
	[sflag:s19] =	ssyncset.done $0x0  }
0xa6: {  	s25 =	sand.u32 $0x8000, s31;
	s26 =	simm.s32 $0x18000;
	[sflag:s19] =	ssyncadd.s32 $0xFFFFE000  }
.LBB2_4:
0xa7: {  	[hbm4b:s28+s2] =	stream.linear.scatter [tilespmem:s23], [sflag:$0x2], $0x8000, $0x38;
	[tilespmem:$0x1C800] =	vst v63  }
0xa8: {  	s0 =	smov.u32 s30;
	s28 =	smov.u32 s22  }
0xa9: {  	s23 =	sadd.s32 $0xC800, s25;
	s1 =	sadd.s32 $0x200, s24;
	s0 =	sshra.s32 s30, $0x2  }
0xaa: {  	[tilespmem:s23], [sflag:$0x1] =	stream.indirect.gather [hbm4b:s3+s12], $0x40, s1, s12, $0xb8;
	[tilespmem:$0x1C800] =	vst v63  }
0xab: {  	s4 =	sadd.s32 $0x800, s30;
	s31 =	sadd.s32 $0xE800, s25;
	s1 =	sand.u32 $0x8000, s26  }
0xac: {  	[tilespmem:s31], [sflag:$0x1] =	stream.indirect.gather [hbm4b:s3+s12], $0x40, s29, s12, $0xb8;
	[tilespmem:$0x1C800] =	vst v63  }
0xad: {  	p0 =	sne.s32 s30, $0x31000;
	s30 =	sadd.s32 $0x300, s24;
	s29 =	sor.u32 $0x10800, s25  }
0xae: {  	[tilespmem:s29], [sflag:$0x1] =	stream.indirect.gather [hbm4b:s3+s12], $0x40, s30, s12, $0xb8;
	[tilespmem:$0x1C800] =	vst v63  }
0xaf: {  	s25 =	sor.u32 $0x12800, s25;
	s29 =	sadd.s32 $0x380, s24;
	s24 =	smov.u32 s0  }
0xb0: {  	[tilespmem:s25], [sflag:$0x1] =	stream.indirect.gather [hbm4b:s3+s12], $0x40, s29, s12, $0xb8;
	[tilespmem:$0x1C800] =	vst v63  }
0xb1: {  	s25 =	smov.u32 s1;
	_ =	swait.ge [sflag:s20], $0x8000  }
0xb2: {  	[sflag:s20] =	ssyncset.done $0x0  }
0xb3: {  	[sflag:s20] =	ssyncadd.s32 $0xFFFF8000  }
0xb4: {  	_ =	swait.ge [sflag:s19], $0x2000  }
0xb5: {  	[sflag:s19] =	ssyncset.done $0x0  }
0xb6: {  	[sflag:s19] =	ssyncadd.s32 $0xFFFFE000  }
0xb7: {  	_ =	swait.ge [sflag:s19], $0x2000  }
0xb8: {  	[sflag:s19] =	ssyncset.done $0x0  }
0xb9: {  	[sflag:s19] =	ssyncadd.s32 $0xFFFFE000  }
0xba: {  	_ =	swait.ge [sflag:s19], $0x2000  }
.Ltmp1:
0xbb: {  	[sflag:s19] =	ssyncset.done $0x0;
	(pc) =	sbr.rel @p0 .LBB2_4-.Ltmp1, $4  }
0xbc: {  	[sflag:s19] =	ssyncadd.s32 $0xFFFFE000  }
0xbd: {  	_ =	swait.ge [sflag:s19], $0x2000  }
0xbe: {  	s22 =	sadd.s32 $0x1000, s22;
	s26 =	sadd.s32 $0x8000, s26;
	[sflag:s19] =	ssyncset.done $0x0  }
0xbf: {  	s30 =	smov.u32 s4;
	s29 =	sadd.s32 $0x280, s24;
	[sflag:s19] =	ssyncadd.s32 $0xFFFFE000  }
0xc0: {  	[hbm4b:s28+s2] =	stream.linear.scatter [tilespmem:s23], [sflag:$0x2], $0x8000, $0x38;
	[tilespmem:$0x1C800] =	vst v63  }
0xc1: {  	s0 =	sadd.s32 $0xC800, s25;
	s1 =	sadd.s32 $0x200, s24  }
0xc2: {  	[tilespmem:s0], [sflag:$0x1] =	stream.indirect.gather [hbm4b:s3+s12], $0x40, s1, s12, $0xb8;
	[tilespmem:$0x1C800] =	vst v63  }
0xc3: {  	s28 =	sadd.s32 $0xE800, s25  }
0xc4: {  	[tilespmem:s28], [sflag:$0x1] =	stream.indirect.gather [hbm4b:s3+s12], $0x40, s29, s12, $0xb8;
	[tilespmem:$0x1C800] =	vst v63  }
0xc5: {  	s4 =	sadd.s32 $0x300, s24;
	s29 =	sor.u32 $0x10800, s25  }
0xc6: {  	[tilespmem:s29], [sflag:$0x1] =	stream.indirect.gather [hbm4b:s3+s12], $0x40, s4, s12, $0xb8;
	[tilespmem:$0x1C800] =	vst v63  }
0xc7: {  	s30 =	sor.u32 $0x12800, s25;
	s31 =	sadd.s32 $0x380, s24  }
0xc8: {  	[tilespmem:s30], [sflag:$0x1] =	stream.indirect.gather [hbm4b:s3+s12], $0x40, s31, s12, $0xb8;
	[tilespmem:$0x1C800] =	vst v63  }
0xc9: {  	_ =	swait.ge [sflag:s20], $0x8000  }
0xca: {  	[sflag:s20] =	ssyncset.done $0x0  }
0xcb: {  	[sflag:s20] =	ssyncadd.s32 $0xFFFF8000  }
0xcc: {  	_ =	swait.ge [sflag:s19], $0x2000  }
0xcd: {  	[sflag:s19] =	ssyncset.done $0x0  }
0xce: {  	[sflag:s19] =	ssyncadd.s32 $0xFFFFE000  }
0xcf: {  	_ =	swait.ge [sflag:s19], $0x2000  }
0xd0: {  	[sflag:s19] =	ssyncset.done $0x0  }
0xd1: {  	[sflag:s19] =	ssyncadd.s32 $0xFFFFE000  }
0xd2: {  	_ =	swait.ge [sflag:s19], $0x2000  }
0xd3: {  	[sflag:s19] =	ssyncset.done $0x0  }
0xd4: {  	[sflag:s19] =	ssyncadd.s32 $0xFFFFE000  }
0xd5: {  	s21 =	sadd.s32 $0x1, s21;
	_ =	swait.ge [sflag:s19], $0x2000  }
0xd6: {  	p0 =	sne.s32 s21, s6;
	[sflag:s19] =	ssyncset.done $0x0  }
.Ltmp2:
0xd7: {  	[sflag:s19] =	ssyncadd.s32 $0xFFFFE000;
	(pc) =	sbr.rel @p0 .LBB2_1-.Ltmp2, $4  }
0xd8: {  	[hbm4b:s22+s2] =	stream.linear.scatter [tilespmem:s0], [sflag:$0x2], $0x8000, $0x38;
	[tilespmem:$0x1C800] =	vst v63  }
0xd9: {  	_ =	swait.ge [sflag:s20], $0x8000  }
0xda: {  	[sflag:s20] =	ssyncset.done $0x0  }
0xdb: {  	[sflag:s20] =	ssyncadd.s32 $0xFFFF8000  }
0xdc: {  	_ =	sfence.sel $0x180000  }
0xdd: {  	[bflag:$0x0] =	sbarrier.arrive $0xFFFF  }
0xde: {  	_ =	strace $0x90000047  }
0xdf: {  	s0 =	stileid.u32;
	[bflag:$0x2] =	sbarrier.arrive $0xFFFF  }
0xe0: {  	p0 =	sne.s32 s0, $0x0;
	s0 =	rddreg [dreg:$0x5]  }
0xe1: {  	s0 =	sadd.s32 @!p0 $0x100000, s0  }
0xe2: {  	[sflag:s0] =	ssyncadd.tile.s32 @!p0 $0x1;
	_ =	shalt  }
.Lfunc_end2:
_tile_overlayer_lowered:
.L_overlay_start_2:
0xe3: {  	(tag) =	ssettag $0x2  }
0xe4: {  	s0 =	rddreg [dreg:$0x0];
	s2 =	stileid.u32  }
0xe5: {  	s1 =	rddreg [dreg:$0x1];
	p0 =	sne.s32 s2, $0x0  }
0xe6: {  	s3 =	rddreg [dreg:$0x2];
	[bflag:$0x3] =	sbarrier.arrive $0xFFFF;
	s2 =	simm.s32 @!p0 $0x1C04  }
0xe7: {  	[timem:s3], [sflag:s2] =	dma.local @!p0 [hbm:s0], s1  }
0xe8: {  	s0 =	simm.s32 @!p0 $0x4  }
0xe9: {  	_ =	swait.ge @!p0 [sflag:s0], s1  }
0xea: {  	s1 =	ssub.s32 @!p0 $0x0, s1;
	[sflag:s0] =	ssyncset.done @!p0 $0x0  }
0xeb: {  	[sflag:s0] =	ssyncadd.s32 @!p0 s1  }
0xec: {  	[bflag:$0x3] =	sbarrier.arrive $0xFFFF  }
0xed: {  	_ =	shalt  }

// kernel: sparse-core-data-format-call.1.cloned.1.call-start
scs
called_computation.1_lowered:
.L_overlay_start_0:
0x0: {  	s2 =	sld [smem:$0x3FD9]  }
0x1: {  	s3 =	sld [smem:$0x3FFE];
	_ =	sdelay $0x1  }
0x2: {  	s1 =	srdreg.scid  }
0x3: {  	s0 =	sand.u32 $0x1, s1  }
0x4: {  	s15 =	sshll.u32 s0, $0xA;
	s2 =	sadd.s32 s3, s2  }
0x5: {  	s2 =	sadd.s32 s2, s15  }
0x6: {  	[smem:$0x3FC5] =	sst s2  }
0x7: {  	_ = 	snop  }
0x8: {  	s2 =	sld [smem:$0x3FD0];
	_ =	sdelay $0x2  }
0x9: {  	s16 =	simm.s32 $0xB;
	s4 =	simm.s32 $0x10  }
0xa: {  	[smem:s4], [sflag:s16] =	dma.local [hbm:s2], $0x1  }
0xb: {  	_ =	swait.eq [sflag:s16], $0x1  }
0xc: {  	[sflag:s16] =	ssyncset.done $0x0  }
0xd: {  	[sflag:s16] =	ssyncadd.s32 $0xFFFFFFFF  }
0xe: {  	s17 =	sld [smem:$0x10];
	(tm) =	ssettm $0x1  }
0xf: {  	s18 =	sld [smem:$0x3FFB];
	_ =	sdelay $0x3  }
0x10: {  	_ =	strace s18  }
0x11: {  	s3 =	sld [smem:$0x3FFC];
	_ =	sdelay $0x3  }
0x12: {  	_ =	strace s3  }
0x13: {  	s3 =	sld [smem:$0x3FFD];
	_ =	sdelay $0x3  }
0x14: {  	_ =	strace s3  }
0x15: {  	_ =	strace $0x8FFFFFFF  }
0x16: {  	s19 =	sld [smem:$0x3FDB];
	_ =	sdelay $0x1  }
0x17: {  	s20 =	simm.s32 $_scs_section_size  }
0x18: {  	s5 =	simm.s32 $_size__tile_overlayer_lowered;
	s6 =	simm.s32 $_tile_overlayer_lowered  }
0x19: {  	s23 =	simm.s32 $0x1BFF;
	s22 =	sshll.u32 s6, $0x1;
	s3 =	sadd.s32 s20, s19  }
0x1a: {  	s7 =	simm.s32 $0x0;
	s21 =	sshll.u32 s5, $0x1;
	s5 =	sadd.s32 s22, s3  }
0x1b: {  	[timem:s7], [sflag:s23] =	dma.local [hbm:s5], s21  }
0x1c: {  	_ =	swait.ge [sflag:s23], s21  }
0x1d: {  	s4 =	ssub.s32 $0x0, s21;
	[sflag:s23] =	ssyncset.done $0x0  }
0x1e: {  	[sflag:s23] =	ssyncadd.s32 s4;
	_ =	sdelay $0x1  }
0x1f: {  	s24 =	simm.s32 $0x1B8B  }
0x20: {  	_ =	swait.ge [sflag:s24], $0x1  }
0x21: {  	[sflag:s24] =	ssyncset.done $0x0  }
0x22: {  	s26 =	simm.s32 $0x1B8E;
	s25 =	sld [smem:$0x3FFE];
	[sflag:s24] =	ssyncadd.s32 $0xFFFFFFFF  }
0x23: {  	s27 =	simm.s32 $execute0_lowered;
	[smem:$0x3FD2] =	sst s26  }
0x24: {  	s5 =	sshll.u32 s27, $0x1;
	_ =	strace $0x80000049;
	[dreg:$0x1] =	wrdreg $0xFFFFFFFF  }
0x25: {  	s28 =	simm.s32 $_size_execute0_lowered;
	s3 =	sadd.s32 s3, s5;
	[dreg:$0x0] =	wrdreg $0x0  }
0x26: {  	s5 =	sshll.u32 s28, $0x1;
	[dreg:$0x2] =	wrdreg s3  }
0x27: {  	[dreg:$0x3] =	wrdreg s5  }
0x28: {  	[dreg:$0x4] =	wrdreg $0xC0  }
0x29: {  	_ =	task [dreg:s7], $0x5FFFF  }
0x2a: {  	[dreg:$0x1] =	wrdreg $0xFFFFFFFF  }
0x2b: {  	[dreg:$0x0] =	wrdreg $0x60  }
0x2c: {  	[dreg:$0x2] =	wrdreg s25  }
0x2d: {  	[dreg:$0x3] =	wrdreg s17  }
0x2e: {  	[dreg:$0x4] =	wrdreg $0xA  }
0x2f: {  	_ =	task.clear_ibuf [dreg:s7], $0x5FFFF;
	_ =	strace $0x90000049  }
0x30: {  	s29 =	simm.s32 $0xA;
	_ =	strace $0x8000004B  }
0x31: {  	_ =	swait.ge [sflag:s29], $0x1  }
0x32: {  	[sflag:s29] =	ssyncadd.s32 $0xFFFFFFFF  }
0x33: {  	_ =	strace $0x9000004B  }
0x34: {  	_ =	sfence  }
0x35: {  	s30 =	sld [smem:$0x0];
	_ =	sdelay $0x2  }
0x36: {  	s31 =	sshll.u32 s1, $0xD;
	s1 =	sshrl.u32 s1, $0x2  }
0x37: {  	s3 =	sand.u32 $0x4000, s31;
	s1 =	sadd.s32 s1, s30  }
0x38: {  	s0 =	sor.u32 s3, s0;
	s1 =	sshll.u32 s1, $0x11  }
0x39: {  	s0 =	sor.u32 s1, s0  }
0x3a: {  	s0 =	sadd.s32 $0x8F2B, s0  }
0x3b: {  	[sflag:s0] =	ssyncadd.remote.s32 $0x1  }
0x3c: {  	_ =	sfence.sel $0xFFFF  }
0x3d: {  	[dreg:$0x0] =	wrdreg $0xFFFFFFFF;
	(pc) =	sbr.abs _section_cstart, $3  }
0x3e: {  	[dreg:$0x1] =	wrdreg $0xFFFFFFFF  }
0x3f: {  	_ =	task.clear_ibuf [dreg:s7], $0x2FFFF;
	_ =	strace $0x9FFFFFFF  }
0x40: {  	(tm) =	ssettm $0x7FFFFFFF  }
0x41: {  	_ =	shalt  }
tec
execute0_lowered:
.L_overlay_start_1:
0x0: {  	(tag) =	ssettag $0x1  }
0x1: {  	s0 =	srdreg.scid  }
0x2: {  	s1 =	sshll.u32 s0, $0x4  }
0x3: {  	s4 =	rddreg [dreg:$0x0];
	s0 =	stileid.u32;
	s1 =	sand.u32 $0x10, s1  }
0x4: {  	s2 =	rddreg [dreg:$0x1];
	s7 =	simm.s32 $0x1;
	s1 =	sor.u32 s0, s1  }
0x5: {  	s8 =	simm.s32 $0x2;
	s11 =	simm.s32 $0x0;
	s3 =	sshll.u32 s1, $0x7  }
0x6: {  	s10 =	simm.s32 $0x0;
	s4 =	sadd.s32 $0x1000, s4;
	s6 =	ssub.s32 $0x190000, s3  }
.Ltmp0:
0x7: {  	s1 =	rddreg [dreg:$0x2];
	s5 =	sand.u32 $0xF80, s6;
	(pc) =	sbr.rel .LBB1_1-.Ltmp0, $4  }
0x8: {  	_ =	strace $0x8000004A;
	s9 =	smov.u32 s3;
	p0 =	sne.s32 s5, $0x0  }
0x9: {  	s6 =	sshrl.u32 s6, $0xC;
	s5 =	simm.s32 $0x1;
	s7 =	simm.s32 @!p0 $0x0  }
0xa: {  	[sflag:s5] =	ssyncpa.u1 $0x0;
	p0 =	por $0x0, $0x0;
	s6 =	sadd.s32 s7, s6  }
0xb: {  	[sflag:s8] =	ssyncpa.u1 $0x0;
	s8 =	simm.s32 $0xC80000;
	s7 =	sadd.s32 $0x1, s6  }
.LBB1_4:
0xc: {  	s14 =	sshll.u32 s11, $0x3  }
0xd: {  	s30 =	sand.u32 $0x7F, s11;
	s15 =	sand.u32 $0xFFFFFC00, s14  }
0xe: {  	s11 =	sor.u32 s30, s15  }
0xf: {  	s15 =	smulhi.u32 $0x51EB851F, s11  }
0x10: {  	s14 =	smulhi.u32 $0x51EB851F, s14  }
0x11: {  	s15 =	sshrl.u32 s15, $0x13  }
0x12: {  	s14 =	sshrl.u32 s14, $0x13;
	s15 =	smul.u32 $0x190000, s15  }
0x13: {  	s14 =	sand.u32 $0x3F, s14  }
0x14: {  	s14 =	smul.u32 $0x32000, s14;
	s11 =	ssub.s32 s11, s15  }
0x15: {  	[tilespmem:s13+$0x810 ss:$0x81] =	vst.msk $0xffff, v2;
	s15 =	sand.u32 $0x7, s11  }
0x16: {  	[tilespmem:s13+$0x1020 ss:$0x81] =	vst.msk $0xffff, v0;
	s14 =	sadd.s32 s2, s14;
	s11 =	sshrl.u32 s11, $0x3;
	s15 =	sshll.u32 s15, $0x12  }
0x17: {  	[tilespmem:s13+$0x0 ss:$0x81] =	vst.msk $0xffff, v1;
	s11 =	sadd.s32 s11, s14;
	s31 =	sor.u32 $0x400, s15  }
0x18: {  	[hbm4b:s11+s31] =	stream.strided.scatter [tilespmem:s12], [sflag:$0x2], $0x2000, s8, s31, $0x20;
	[tilespmem:$0x8080] =	vst v63  }
.LBB1_5:
0x19: {  	s13 =	sadd.s32 $0x1000, s9  }
0x1a: {  	p2 =	sgt.s32 s13, $0x18FFFF  }
0x1b: {  	s13 =	smov.u32 @p2 s3;
	p2 =	sne.s32 s10, s7  }
.Ltmp1:
0x1c: {  	p1 =	slt.u32 s10, $0x2;
	(pc) =	sbr.rel @!p2 .LBB1_6-.Ltmp1, $4  }
0x1d: {  	s12 =	simm.s32 @!p1 $0x2  }
0x1e: {  	s14 =	sadd.s32 $0x1, s10;
	_ =	swait.ge @!p1 [sflag:s12], $0x2000  }
0x1f: {  	s11 =	smov.u32 s9;
	p0 =	por !p0, !p0;
	[sflag:s12] =	ssyncset.done @!p1 $0x0  }
0x20: {  	s10 =	smov.u32 s14;
	s9 =	smov.u32 s13;
	[sflag:s12] =	ssyncadd.s32 @!p1 $0xFFFFE000  }
.LBB1_1:
0x21: {  	p1 =	sge.u32 s10, s6  }
0x22: {  	s12 =	sand.u32 @!p1 $0x1FFFFFF, s9  }
0x23: {  	s13 =	smulhi.u32 @!p1 $0x147AE15, s12;
	_ =	sdelay $0x1  }
0x24: {  	s13 =	sshrl.u32 @!p1 s13, $0xD  }
0x25: {  	s13 =	smul.u32 @!p1 $0x190000, s13;
	_ =	sdelay $0x1  }
0x26: {  	s31 =	sadd.s32 $0xFFFFFFFF, s10;
	s14 =	sxor.u32 @!p1 $0xFFFFFFFF, s10;
	s12 =	ssub.s32 @!p1 s12, s13  }
0x27: {  	s15 =	simm.s32 @!p1 $0x80;
	s14 =	sshll.u32 @!p1 s14, $0xD;
	s12 =	sshll.u32 @!p1 s12, $0x4  }
0x28: {  	s13 =	sand.u32 @!p1 $0x2000, s14;
	s14 =	simm.s32 @!p1 $0x40;
	s12 =	sadd.s32 @!p1 s4, s12  }
0x29: {  	[tilespmem:s13], [sflag:$0x1] =	stream.strided.gather @!p1 [hbm4b:s12+s14], $0x2000, s15, s14, $0x38;
	[tilespmem:$0x8080] =	vst v63  }
0x2a: {  	p1 =	sge.u32 s31, s6  }
.Ltmp2:
0x2b: {  	_ = 	snop;
	(pc) =	sbr.rel @p1 .LBB1_5-.Ltmp2, $1  }
0x2c: {  	_ =	sdelay $0x3  }
0x2d: {  	s12 =	simm.s32 $0x1  }
0x2e: {  	_ =	swait.ge [sflag:s5], $0x2000;
	s12 =	simm.s32 @!p0 $0x0  }
0x2f: {  	[sflag:s5] =	ssyncset.done $0x0;
	s13 =	sshll.u32 s12, $0xD  }
0x30: {  	[sflag:s5] =	ssyncadd.s32 $0xFFFFE000;
	s16 =	sor.u32 $0x20, s13  }
0x31: {  	s12 =	smul.u32 $0x8100, s12;
	v3 =	vld [tilespmem:s16+$0x10]  }
0x32: {  	s30 =	sand.u32 $0x1, s10;
	v2 =	vld [tilespmem:s16+$0xFFFFFFF0]  }
0x33: {  	s13 =	smul.u32 $0x8100, s30;
	s12 =	sshrl.u32 s12, $0x2;
	v0 =	vld [tilespmem:s16+$0x0]  }
0x34: {  	v1 =	vld [tilespmem:s16+$0xFFFFFFE0];
	s14 =	sor.u32 $0x4000, s12  }
0x35: {  	s31 =	sshrl.u32 s13, $0x2;
	s13 =	sadd.s32 $0x0, s14  }
0x36: {  	s15 =	simm.s32 $0x4;
	s16 =	sadd.s32 $0x40, s16;
	s12 =	sor.u32 $0x4000, s31;
	[tilespmem:s13+$0x1830 ss:$0x81] =	vst.msk $0xffff, v3  }
.LBB1_3:
0x37: {  	v3 =	vld [tilespmem:s16+$0x10];
	p1 =	sne.s32 s15, $0x1FC;
	[tilespmem:s13+$0x810 ss:$0x81] =	vst.msk $0xffff, v2;
	s17 =	smov.u32 s15;
	s15 =	sadd.s32 $0x4, s15  }
.Ltmp3:
0x38: {  	v2 =	vld [tilespmem:s16+$0xFFFFFFF0];
	[tilespmem:s13+$0x1020 ss:$0x81] =	vst.msk $0xffff, v0;
	(pc) =	sbr.rel @p1 .LBB1_3-.Ltmp3, $4  }
0x39: {  	v0 =	vld [tilespmem:s16+$0x0];
	[tilespmem:s13+$0x0 ss:$0x81] =	vst.msk $0xffff, v1  }
0x3a: {  	s13 =	sshra.s32 s17, $0x2;
	v1 =	vld [tilespmem:s16+$0xFFFFFFE0]  }
0x3b: {  	s13 =	sadd.s32 s13, s14  }
0x3c: {  	s16 =	sadd.s32 $0x40, s16;
	[tilespmem:s13+$0x1830 ss:$0x81] =	vst.msk $0xffff, v3  }
.Ltmp4:
0x3d: {  	_ = 	snop;
	(pc) =	sbr.rel .LBB1_4-.Ltmp4, $1  }
0x3e: {  	_ =	sdelay $0x3  }
.LBB1_6:
0x3f: {  	_ =	sfence.sel $0x180000  }
0x40: {  	s2 =	simm.s32 $0x1;
	[bflag:$0x0] =	sbarrier.arrive $0xFFFF  }
0x41: {  	s31 =	simm.s32 $0x2;
	[sflag:s2] =	ssyncpa.u1 $0x1  }
0x42: {  	[sflag:s31] =	ssyncpa.u1 $0x1  }
0x43: {  	p0 =	sne.s32 s0, $0x0;
	_ =	strace $0x9000004A  }
0x44: {  	s0 =	sadd.s32 @!p0 $0x100000, s1;
	[bflag:$0x2] =	sbarrier.arrive $0xFFFF  }
0x45: {  	[sflag:s0] =	ssyncadd.tile.s32 @!p0 $0x1;
	_ =	shalt  }
.Lfunc_end1:
_tile_overlayer_lowered:
.L_overlay_start_2:
0x46: {  	(tag) =	ssettag $0x2  }
0x47: {  	s0 =	rddreg [dreg:$0x0];
	s2 =	stileid.u32  }
0x48: {  	s1 =	rddreg [dreg:$0x1];
	p0 =	sne.s32 s2, $0x0  }
0x49: {  	s3 =	rddreg [dreg:$0x2];
	[bflag:$0x3] =	sbarrier.arrive $0xFFFF;
	s2 =	simm.s32 @!p0 $0x1C01  }
0x4a: {  	[timem:s3], [sflag:s2] =	dma.local @!p0 [hbm:s0], s1  }
0x4b: {  	s0 =	simm.s32 @!p0 $0x1  }
0x4c: {  	_ =	swait.ge @!p0 [sflag:s0], s1  }
0x4d: {  	s1 =	ssub.s32 @!p0 $0x0, s1;
	[sflag:s0] =	ssyncset.done @!p0 $0x0  }
0x4e: {  	[sflag:s0] =	ssyncadd.s32 @!p0 s1  }
0x4f: {  	[bflag:$0x3] =	sbarrier.arrive $0xFFFF  }
0x50: {  	_ =	shalt  }

// kernel: sparse-core-data-format-call.cloned.1.call-start
scs
called_computation_lowered:
.L_overlay_start_0:
0x0: {  	s2 =	sld [smem:$0x3FD9]  }
0x1: {  	s3 =	sld [smem:$0x3FFE];
	_ =	sdelay $0x1  }
0x2: {  	s1 =	srdreg.scid  }
0x3: {  	s0 =	sand.u32 $0x1, s1  }
0x4: {  	s16 =	sshll.u32 s0, $0xA;
	s2 =	sadd.s32 s3, s2  }
0x5: {  	s2 =	sadd.s32 s2, s16  }
0x6: {  	[smem:$0x3FC5] =	sst s2  }
0x7: {  	_ = 	snop  }
0x8: {  	s2 =	sld [smem:$0x3FD0];
	_ =	sdelay $0x2  }
0x9: {  	s17 =	simm.s32 $0xB;
	s4 =	simm.s32 $0x10  }
0xa: {  	[smem:s4], [sflag:s17] =	dma.local [hbm:s2], $0x1  }
0xb: {  	_ =	swait.eq [sflag:s17], $0x1  }
0xc: {  	[sflag:s17] =	ssyncset.done $0x0  }
0xd: {  	[sflag:s17] =	ssyncadd.s32 $0xFFFFFFFF  }
0xe: {  	s18 =	sld [smem:$0x11];
	(tm) =	ssettm $0x1  }
0xf: {  	s19 =	sld [smem:$0x3FFB];
	_ =	sdelay $0x3  }
0x10: {  	_ =	strace s19  }
0x11: {  	s2 =	sld [smem:$0x3FFC];
	_ =	sdelay $0x3  }
0x12: {  	_ =	strace s2  }
0x13: {  	s2 =	sld [smem:$0x3FFD];
	_ =	sdelay $0x3  }
0x14: {  	_ =	strace s2  }
0x15: {  	_ =	strace $0x8FFFFFFF  }
0x16: {  	s20 =	sld [smem:$0x3FDB];
	_ =	sdelay $0x1  }
0x17: {  	s21 =	simm.s32 $_scs_section_size  }
0x18: {  	s5 =	simm.s32 $_size__tile_overlayer_lowered;
	s6 =	simm.s32 $_tile_overlayer_lowered  }
0x19: {  	s7 =	simm.s32 $0x1BFF;
	s22 =	sshll.u32 s6, $0x1;
	s4 =	sadd.s32 s21, s20  }
0x1a: {  	s23 =	simm.s32 $0x0;
	s5 =	sshll.u32 s5, $0x1;
	s6 =	sadd.s32 s22, s4  }
0x1b: {  	[timem:s23], [sflag:s7] =	dma.local [hbm:s6], s5  }
0x1c: {  	_ =	swait.ge [sflag:s7], s5  }
0x1d: {  	s5 =	ssub.s32 $0x0, s5;
	[sflag:s7] =	ssyncset.done $0x0  }
0x1e: {  	[sflag:s7] =	ssyncadd.s32 s5;
	_ =	sdelay $0x1  }
0x1f: {  	s24 =	simm.s32 $0x1B8B  }
0x20: {  	_ =	swait.ge [sflag:s24], $0x1  }
0x21: {  	[sflag:s24] =	ssyncset.done $0x0  }
0x22: {  	[sflag:s24] =	ssyncadd.s32 $0xFFFFFFFF  }
0x23: {  	s5 =	sld [smem:$0x0]  }
0x24: {  	s6 =	sand.u32 $0xFFFFFFFE, s1  }
0x25: {  	p0 =	sne.s32 s1, s6  }
0x26: {  	s6 =	sshll.u32 @p0 s6, $0xE  }
0x27: {  	s6 =	sadd.s32 @p0 $0x11B8D, s6;
	s7 =	sshll.u32 @p0 s5, $0x11  }
0x28: {  	s6 =	sor.u32 @p0 s7, s6  }
0x29: {  	[sflag:s6] =	ssyncadd.remote.s32 @p0 $0x1;
	_ =	sdelay $0x1  }
0x2a: {  	s6 =	simm.s32 @p0 $0x1B8D  }
0x2b: {  	_ =	swait.eq @p0 [sflag:s6], $0x1  }
0x2c: {  	[sflag:s6] =	ssyncadd.s32 @p0 $0xFFFFFFFF  }
0x2d: {  	s7 =	sshll.u32 @!p0 s1, $0xE  }
0x2e: {  	s7 =	sor.u32 @!p0 $0x4000, s7;
	s6 =	simm.s32 @!p0 $0x1B8D  }
0x2f: {  	s5 =	sshll.u32 @!p0 s5, $0x11;
	s7 =	sadd.s32 @!p0 $0x11B8D, s7;
	_ =	swait.eq @!p0 [sflag:s6], $0x1  }
0x30: {  	s5 =	sor.u32 @!p0 s5, s7;
	[sflag:s6] =	ssyncadd.s32 @!p0 $0xFFFFFFFF  }
0x31: {  	s26 =	simm.s32 $0x1B8E;
	s25 =	sld [smem:$0x3FFE];
	[sflag:s5] =	ssyncadd.remote.s32 @!p0 $0x1  }
0x32: {  	s27 =	simm.s32 $execute0_lowered;
	[smem:$0x3FD2] =	sst s26  }
0x33: {  	s6 =	sshll.u32 s27, $0x1;
	_ =	strace $0x8000004C;
	[dreg:$0x1] =	wrdreg $0xFFFFFFFF  }
0x34: {  	s28 =	simm.s32 $_size_execute0_lowered;
	s4 =	sadd.s32 s4, s6;
	[dreg:$0x0] =	wrdreg $0x0  }
0x35: {  	s6 =	sshll.u32 s28, $0x1;
	[dreg:$0x2] =	wrdreg s4  }
0x36: {  	[dreg:$0x3] =	wrdreg s6  }
0x37: {  	[dreg:$0x4] =	wrdreg $0xC0  }
0x38: {  	_ =	task [dreg:s23], $0x5FFFF  }
0x39: {  	[dreg:$0x1] =	wrdreg $0xFFFFFFFF  }
0x3a: {  	[dreg:$0x0] =	wrdreg $0x60  }
0x3b: {  	[dreg:$0x2] =	wrdreg s25  }
0x3c: {  	[dreg:$0x3] =	wrdreg s18  }
0x3d: {  	[dreg:$0x4] =	wrdreg $0x9  }
0x3e: {  	_ =	task.clear_ibuf [dreg:s23], $0x5FFFF;
	_ =	strace $0x9000004C  }
0x3f: {  	s29 =	simm.s32 $0x9;
	_ =	strace $0x8000004E  }
0x40: {  	_ =	swait.ge [sflag:s29], $0x1  }
0x41: {  	[sflag:s29] =	ssyncadd.s32 $0xFFFFFFFF  }
0x42: {  	_ =	strace $0x9000004E  }
0x43: {  	_ =	sfence  }
0x44: {  	s30 =	sld [smem:$0x0];
	_ =	sdelay $0x2  }
0x45: {  	s31 =	sshll.u32 s1, $0xD;
	s1 =	sshrl.u32 s1, $0x2  }
0x46: {  	s4 =	sand.u32 $0x4000, s31;
	s1 =	sadd.s32 s1, s30  }
0x47: {  	s0 =	sor.u32 s4, s0;
	s1 =	sshll.u32 s1, $0x11  }
0x48: {  	s0 =	sor.u32 s1, s0  }
0x49: {  	s0 =	sadd.s32 $0x8F2B, s0  }
0x4a: {  	[sflag:s0] =	ssyncadd.remote.s32 $0x1  }
0x4b: {  	_ =	sfence.sel $0xFFFF  }
0x4c: {  	[dreg:$0x0] =	wrdreg $0xFFFFFFFF;
	(pc) =	sbr.abs _section_cstart, $3  }
0x4d: {  	[dreg:$0x1] =	wrdreg $0xFFFFFFFF  }
0x4e: {  	_ =	task.clear_ibuf [dreg:s23], $0x2FFFF;
	_ =	strace $0x9FFFFFFF  }
0x4f: {  	(tm) =	ssettm $0x7FFFFFFF  }
tec
execute0_lowered:
.L_overlay_start_1:
0x0: {  	(tag) =	ssettag $0x1  }
0x1: {  	s0 =	srdreg.scid  }
0x2: {  	s1 =	sshll.u32 s0, $0x4  }
0x3: {  	s4 =	rddreg [dreg:$0x0];
	s0 =	stileid.u32;
	s1 =	sand.u32 $0x10, s1  }
0x4: {  	s2 =	rddreg [dreg:$0x1];
	s7 =	simm.s32 $0x1;
	s1 =	sor.u32 s0, s1  }
0x5: {  	s8 =	simm.s32 $0x2;
	s11 =	simm.s32 $0x0;
	s3 =	sshll.u32 s1, $0x7  }
0x6: {  	s10 =	simm.s32 $0x0;
	s4 =	sadd.s32 $0x1901000, s4;
	s6 =	ssub.s32 $0x190000, s3  }
.Ltmp0:
0x7: {  	s1 =	rddreg [dreg:$0x2];
	s5 =	sand.u32 $0xF80, s6;
	(pc) =	sbr.rel .LBB1_1-.Ltmp0, $4  }
0x8: {  	_ =	strace $0x8000004D;
	s9 =	smov.u32 s3;
	p0 =	sne.s32 s5, $0x0  }
0x9: {  	s6 =	sshrl.u32 s6, $0xC;
	s5 =	simm.s32 $0x1;
	s7 =	simm.s32 @!p0 $0x0  }
0xa: {  	[sflag:s5] =	ssyncpa.u1 $0x0;
	p0 =	por $0x0, $0x0;
	s6 =	sadd.s32 s7, s6  }
0xb: {  	[sflag:s8] =	ssyncpa.u1 $0x0;
	s8 =	simm.s32 $0xC80000;
	s7 =	sadd.s32 $0x1, s6  }
.LBB1_4:
0xc: {  	s14 =	sshll.u32 s11, $0x3  }
0xd: {  	s30 =	sand.u32 $0x7F, s11;
	s15 =	sand.u32 $0xFFFFFC00, s14  }
0xe: {  	s11 =	sor.u32 s30, s15  }
0xf: {  	s15 =	smulhi.u32 $0x51EB851F, s11  }
0x10: {  	s14 =	smulhi.u32 $0x51EB851F, s14  }
0x11: {  	s15 =	sshrl.u32 s15, $0x13  }
0x12: {  	s14 =	sshrl.u32 s14, $0x13;
	s15 =	smul.u32 $0x190000, s15  }
0x13: {  	s14 =	sand.u32 $0x3F, s14  }
0x14: {  	s14 =	smul.u32 $0x32000, s14;
	s11 =	ssub.s32 s11, s15  }
0x15: {  	[tilespmem:s13+$0x810 ss:$0x81] =	vst.msk $0xffff, v2;
	s15 =	sand.u32 $0x7, s11  }
0x16: {  	[tilespmem:s13+$0x1020 ss:$0x81] =	vst.msk $0xffff, v0;
	s14 =	sadd.s32 s2, s14;
	s11 =	sshrl.u32 s11, $0x3;
	s15 =	sshll.u32 s15, $0x12  }
0x17: {  	[tilespmem:s13+$0x0 ss:$0x81] =	vst.msk $0xffff, v1;
	s11 =	sadd.s32 s11, s14;
	s31 =	sor.u32 $0x400, s15  }
0x18: {  	[hbm4b:s11+s31] =	stream.strided.scatter [tilespmem:s12], [sflag:$0x2], $0x2000, s8, s31, $0x20;
	[tilespmem:$0x8080] =	vst v63  }
.LBB1_5:
0x19: {  	s13 =	sadd.s32 $0x1000, s9  }
0x1a: {  	p2 =	sgt.s32 s13, $0x18FFFF  }
0x1b: {  	s13 =	smov.u32 @p2 s3;
	p2 =	sne.s32 s10, s7  }
.Ltmp1:
0x1c: {  	p1 =	slt.u32 s10, $0x2;
	(pc) =	sbr.rel @!p2 .LBB1_6-.Ltmp1, $4  }
0x1d: {  	s12 =	simm.s32 @!p1 $0x2  }
0x1e: {  	s14 =	sadd.s32 $0x1, s10;
	_ =	swait.ge @!p1 [sflag:s12], $0x2000  }
0x1f: {  	s11 =	smov.u32 s9;
	p0 =	por !p0, !p0;
	[sflag:s12] =	ssyncset.done @!p1 $0x0  }
0x20: {  	s10 =	smov.u32 s14;
	s9 =	smov.u32 s13;
	[sflag:s12] =	ssyncadd.s32 @!p1 $0xFFFFE000  }
.LBB1_1:
0x21: {  	p1 =	sge.u32 s10, s6  }
0x22: {  	s12 =	sand.u32 @!p1 $0x1FFFFFF, s9  }
0x23: {  	s13 =	smulhi.u32 @!p1 $0x147AE15, s12;
	_ =	sdelay $0x1  }
0x24: {  	s13 =	sshrl.u32 @!p1 s13, $0xD  }
0x25: {  	s13 =	smul.u32 @!p1 $0x190000, s13;
	_ =	sdelay $0x1  }
0x26: {  	s31 =	sadd.s32 $0xFFFFFFFF, s10;
	s14 =	sxor.u32 @!p1 $0xFFFFFFFF, s10;
	s12 =	ssub.s32 @!p1 s12, s13  }
0x27: {  	s15 =	simm.s32 @!p1 $0x80;
	s14 =	sshll.u32 @!p1 s14, $0xD;
	s12 =	sshll.u32 @!p1 s12, $0x4  }
0x28: {  	s13 =	sand.u32 @!p1 $0x2000, s14;
	s14 =	simm.s32 @!p1 $0x40;
	s12 =	sadd.s32 @!p1 s4, s12  }
0x29: {  	[tilespmem:s13], [sflag:$0x1] =	stream.strided.gather @!p1 [hbm4b:s12+s14], $0x2000, s15, s14, $0x38;
	[tilespmem:$0x8080] =	vst v63  }
0x2a: {  	p1 =	sge.u32 s31, s6  }
.Ltmp2:
0x2b: {  	_ = 	snop;
	(pc) =	sbr.rel @p1 .LBB1_5-.Ltmp2, $1  }
0x2c: {  	_ =	sdelay $0x3  }
0x2d: {  	s12 =	simm.s32 $0x1  }
0x2e: {  	_ =	swait.ge [sflag:s5], $0x2000;
	s12 =	simm.s32 @!p0 $0x0  }
0x2f: {  	[sflag:s5] =	ssyncset.done $0x0;
	s13 =	sshll.u32 s12, $0xD  }
0x30: {  	[sflag:s5] =	ssyncadd.s32 $0xFFFFE000;
	s16 =	sor.u32 $0x20, s13  }
0x31: {  	s12 =	smul.u32 $0x8100, s12;
	v3 =	vld [tilespmem:s16+$0x10]  }
0x32: {  	s30 =	sand.u32 $0x1, s10;
	v2 =	vld [tilespmem:s16+$0xFFFFFFF0]  }
0x33: {  	s13 =	smul.u32 $0x8100, s30;
	s12 =	sshrl.u32 s12, $0x2;
	v0 =	vld [tilespmem:s16+$0x0]  }
0x34: {  	v1 =	vld [tilespmem:s16+$0xFFFFFFE0];
	s14 =	sor.u32 $0x4000, s12  }
0x35: {  	s31 =	sshrl.u32 s13, $0x2;
	s13 =	sadd.s32 $0x0, s14  }
0x36: {  	s15 =	simm.s32 $0x4;
	s16 =	sadd.s32 $0x40, s16;
	s12 =	sor.u32 $0x4000, s31;
	[tilespmem:s13+$0x1830 ss:$0x81] =	vst.msk $0xffff, v3  }
.LBB1_3:
0x37: {  	v3 =	vld [tilespmem:s16+$0x10];
	p1 =	sne.s32 s15, $0x1FC;
	[tilespmem:s13+$0x810 ss:$0x81] =	vst.msk $0xffff, v2;
	s17 =	smov.u32 s15;
	s15 =	sadd.s32 $0x4, s15  }
.Ltmp3:
0x38: {  	v2 =	vld [tilespmem:s16+$0xFFFFFFF0];
	[tilespmem:s13+$0x1020 ss:$0x81] =	vst.msk $0xffff, v0;
	(pc) =	sbr.rel @p1 .LBB1_3-.Ltmp3, $4  }
0x39: {  	v0 =	vld [tilespmem:s16+$0x0];
	[tilespmem:s13+$0x0 ss:$0x81] =	vst.msk $0xffff, v1  }
0x3a: {  	s13 =	sshra.s32 s17, $0x2;
	v1 =	vld [tilespmem:s16+$0xFFFFFFE0]  }
0x3b: {  	s13 =	sadd.s32 s13, s14  }
0x3c: {  	s16 =	sadd.s32 $0x40, s16;
	[tilespmem:s13+$0x1830 ss:$0x81] =	vst.msk $0xffff, v3  }
.Ltmp4:
0x3d: {  	_ = 	snop;
	(pc) =	sbr.rel .LBB1_4-.Ltmp4, $1  }
0x3e: {  	_ =	sdelay $0x3  }
.LBB1_6:
0x3f: {  	_ =	sfence.sel $0x180000  }
0x40: {  	s2 =	simm.s32 $0x1;
	[bflag:$0x0] =	sbarrier.arrive $0xFFFF  }
0x41: {  	s31 =	simm.s32 $0x2;
	[sflag:s2] =	ssyncpa.u1 $0x1  }
0x42: {  	[sflag:s31] =	ssyncpa.u1 $0x1  }
0x43: {  	p0 =	sne.s32 s0, $0x0;
	_ =	strace $0x9000004D  }
0x44: {  	s0 =	sadd.s32 @!p0 $0x100000, s1;
	[bflag:$0x2] =	sbarrier.arrive $0xFFFF  }
0x45: {  	[sflag:s0] =	ssyncadd.tile.s32 @!p0 $0x1;
	_ =	shalt  }
.Lfunc_end1:
_tile_overlayer_lowered:
.L_overlay_start_2:
0x46: {  	(tag) =	ssettag $0x2  }
0x47: {  	s0 =	rddreg [dreg:$0x0];
	s2 =	stileid.u32  }
0x48: {  	s1 =	rddreg [dreg:$0x1];
	p0 =	sne.s32 s2, $0x0  }
0x49: {  	s3 =	rddreg [dreg:$0x2];
	[bflag:$0x3] =	sbarrier.arrive $0xFFFF;
	s2 =	simm.s32 @!p0 $0x1C01  }
0x4a: {  	[timem:s3], [sflag:s2] =	dma.local @!p0 [hbm:s0], s1  }
0x4b: {  	s0 =	simm.s32 @!p0 $0x1  }
0x4c: {  	_ =	swait.ge @!p0 [sflag:s0], s1  }
0x4d: {  	s1 =	ssub.s32 @!p0 $0x0, s1;
	[sflag:s0] =	ssyncset.done @!p0 $0x0  }
0x4e: {  	[sflag:s0] =	ssyncadd.s32 @!p0 s1  }
0x4f: {  	[bflag:$0x3] =	sbarrier.arrive $0xFFFF  }
0x50: {  	_ =	shalt  }

</sc_bundles>
